<compile_context>
chip_gen: v7x
topology: tpu7x:2x2x1
jax: 0.10.2.dev20260603
libtpu: 0.0.44.dev20260713+nightly
codegen_flags: <defaults>
</compile_context>

<pallas_src>
import functools

import jax
import jax.numpy as jnp
from jax import lax
from jax.experimental import pallas as pl
from jax.experimental.pallas import tpu as pltpu
from jax.experimental.pallas import tpu_sc as plsc

_NC = 2
_NS = 16
_NW = _NC * _NS
_C = 128
_NBUF = 5
_PRIME = 4


@jax.jit
def _gather_sc(table, idx_flat):
    n = idx_flat.shape[0]
    d = table.shape[1]
    b_per_w = n // _NW
    nchunks = b_per_w // _C
    ngroups = nchunks // _NBUF
    assert b_per_w * _NW == n
    assert nchunks * _C == b_per_w
    assert ngroups * _NBUF == nchunks
    assert nchunks > _NBUF

    mesh = plsc.VectorSubcoreMesh(core_axis_name="c", subcore_axis_name="s")

    @functools.partial(
        pl.kernel,
        out_type=jax.ShapeDtypeStruct((n, d), table.dtype),
        mesh=mesh,
        scratch_types=[
            pltpu.VMEM((b_per_w,), jnp.int32),
            pltpu.VMEM((_NBUF, _C, d), jnp.float32),
        ]
        + [pltpu.SemaphoreType.DMA] * (2 * _NBUF),
    )
    def k(table_hbm, idx_hbm, out_hbm, idx_v, rows_v, *sems):
        gsem = sems[:_NBUF]
        wsem = sems[_NBUF:]
        wid = lax.axis_index("s") * _NC + lax.axis_index("c")
        base = wid * b_per_w
        pltpu.sync_copy(idx_hbm.at[pl.ds(base, b_per_w)], idx_v)

        def gather(g, b):
            pltpu.async_copy(
                table_hbm.at[idx_v.at[pl.ds(g * _C, _C)]], rows_v.at[b], gsem[b]
            )

        def wait_gather(b):
            pltpu.make_async_copy(
                table_hbm.at[idx_v.at[pl.ds(0, _C)]], rows_v.at[b], gsem[b]
            ).wait()

        def write(g, b):
            pltpu.async_copy(
                rows_v.at[b], out_hbm.at[pl.ds(base + g * _C, _C)], wsem[b]
            )

        def wait_write(b):
            pltpu.make_async_copy(
                rows_v.at[b], out_hbm.at[pl.ds(base, _C)], wsem[b]
            ).wait()

        for b in range(_PRIME):
            gather(b, b)

        @pl.loop(0, ngroups)
        def _(g0):
            for b in range(_NBUF):
                g = g0 * _NBUF + b
                wait_gather(b)
                write(g, b)
                gf = g + _PRIME
                bf = (b + _PRIME) % _NBUF

                @pl.when(gf < nchunks)
                def _issue():
                    @pl.when(g >= _NBUF - _PRIME)
                    def _w():
                        wait_write(bf)

                    gather(gf, bf)

        for b in range(_NBUF):
            wait_write(b)

    return k(table, idx_flat)


def kernel(locus_indices, table):
    b, s = locus_indices.shape
    idx_flat = locus_indices.reshape(b * s).astype(jnp.int32)
    out = _gather_sc(table, idx_flat)
    return out.reshape(b, s, table.shape[1])

# --- scband reference (transcript-rebuilt; emitter-appended) ---
"""Pipeline reference for scband-locus-positional-embedding-9010841387689 (READ-ONLY COPY).

The authoritative reference and input builder live on the scoring server;
editing this copy changes nothing except your own understanding.
"""

import jax, jax.numpy as jnp
import numpy as np

NUM_LOCI = 100000
EMBED_DIM = 128


def setup_inputs(seed: int = 0) -> dict:
    key = jax.random.key(seed)
    k_idx, k_tab = jax.random.split(key)
    locus_indices = jax.random.randint(k_idx, (4096, 200), 0, NUM_LOCI, dtype=jnp.int64 if jax.config.jax_enable_x64 else jnp.int32)
    table = jax.random.normal(k_tab, (NUM_LOCI, EMBED_DIM), dtype=jnp.float32)
    return {"locus_indices": locus_indices, "table": table}


def reference(locus_indices, table):
    # nn.Embedding lookup: gather rows of the table by index
    return jnp.take(table, locus_indices, axis=0)

if __name__ == "__main__":
    import jax
    _d = setup_inputs()
    print(jax.jit(kernel)(*tuple(_d.values())))

</pallas_src>

<mosaic_0001>
#map = affine_map<(d0, d1) -> (0, 0)>
#map1 = affine_map<(d0, d1) -> (0)>
module attributes {stable_mosaic.version = 14 : i64} {
  func.func @k(%arg0: i32, %arg1: i32, %arg2: memref<100000x128xf32, #tpu.memory_space<hbm>>, %arg3: memref<819200xi32, #tpu.memory_space<hbm>>, %arg4: memref<819200x128xf32, #tpu.memory_space<hbm>>, %arg5: memref<25600xi32, #tpu.memory_space<vmem>>, %arg6: memref<5x128x128xf32, #tpu.memory_space<vmem>>, %arg7: memref<!tpu.dma_semaphore, #tpu.memory_space<semaphore_mem>>, %arg8: memref<!tpu.dma_semaphore, #tpu.memory_space<semaphore_mem>>, %arg9: memref<!tpu.dma_semaphore, #tpu.memory_space<semaphore_mem>>, %arg10: memref<!tpu.dma_semaphore, #tpu.memory_space<semaphore_mem>>, %arg11: memref<!tpu.dma_semaphore, #tpu.memory_space<semaphore_mem>>, %arg12: memref<!tpu.dma_semaphore, #tpu.memory_space<semaphore_mem>>, %arg13: memref<!tpu.dma_semaphore, #tpu.memory_space<semaphore_mem>>, %arg14: memref<!tpu.dma_semaphore, #tpu.memory_space<semaphore_mem>>, %arg15: memref<!tpu.dma_semaphore, #tpu.memory_space<semaphore_mem>>, %arg16: memref<!tpu.dma_semaphore, #tpu.memory_space<semaphore_mem>>) attributes {dimension_semantics = [#tpu.dimension_semantics<core_parallel>, #tpu.dimension_semantics<subcore_parallel>], iteration_bounds = array<i64: 2, 16>, scalar_prefetch = 0 : i64, scratch_operands = 12 : i64, tpu.core_type = #tpu.core_type<sc_vector_subcore>, window_params = [{transform_indices = #map}, {transform_indices = #map1}, {transform_indices = #map}]} {
    %mul3A = arith.constant 2 : i32
    %mul3A_0 = arith.muli %arg1, %mul3A : i32
    %add3A = arith.addi %mul3A_0, %arg0 : i32
    %mul3A_1 = arith.constant 25600 : i32
    %mul3A_2 = arith.muli %add3A, %mul3A_1 : i32
    "tpu.region"() ({
      %run_scoped3A = tpu.sem_alloc : memref<!tpu.dma_semaphore, #tpu.memory_space<semaphore_mem>>
      %dma_start3A_110 = tpu.memref_slice %arg3[%mul3A_2] : memref<819200xi32, #tpu.memory_space<hbm>> -> memref<25600xi32, #tpu.memory_space<hbm>>
      %dma_start3A_111 = tpu.memref_slice %arg3[%mul3A_2] : memref<819200xi32, #tpu.memory_space<hbm>> -> memref<25600xi32, #tpu.memory_space<hbm>>
      tpu.enqueue_dma source(%dma_start3A_111 : memref<25600xi32, #tpu.memory_space<hbm>>) target(%arg5 : memref<25600xi32, #tpu.memory_space<vmem>>) target_semaphore(%run_scoped3A : memref<!tpu.dma_semaphore, #tpu.memory_space<semaphore_mem>>)
      %dma_wait3A_112 = tpu.memref_slice %arg3[%mul3A_2] : memref<819200xi32, #tpu.memory_space<hbm>> -> memref<25600xi32, #tpu.memory_space<hbm>>
      %dma_wait3A_113 = tpu.memref_slice %arg3[%mul3A_2] : memref<819200xi32, #tpu.memory_space<hbm>> -> memref<25600xi32, #tpu.memory_space<hbm>>
      tpu.wait_dma2 semaphore(%run_scoped3A : memref<!tpu.dma_semaphore, #tpu.memory_space<semaphore_mem>>) src(%dma_wait3A_113 : memref<25600xi32, #tpu.memory_space<hbm>>) dst(%arg5 : memref<25600xi32, #tpu.memory_space<vmem>>)
      tpu.yield
    }) : () -> ()
    %dma_start3A = arith.constant 0 : i32
    %dma_start3A_3 = arith.constant 0 : i32
    %dma_start3A_4 = arith.constant 0 : i32
    %dma_start3A_5 = tpu.memref_slice %arg6[%dma_start3A, %dma_start3A_3, %dma_start3A_4] : memref<5x128x128xf32, #tpu.memory_space<vmem>> -> memref<1x128x128xf32, #tpu.memory_space<vmem>>
    %dma_start3A_6 = tpu.memref_squeeze %dma_start3A_5 : memref<1x128x128xf32, #tpu.memory_space<vmem>> -> memref<128x128xf32, #tpu.memory_space<vmem>>
    %dma_start3A_7 = arith.constant 0 : i32
    %dma_start3A_8 = tpu.memref_slice %arg5[%dma_start3A_7] : memref<25600xi32, #tpu.memory_space<vmem>> -> memref<128xi32, #tpu.memory_space<vmem>>
    %dma_start3A_9 = arith.constant 0 : i32
    %dma_start3A_10 = arith.constant 0 : i32
    %dma_start3A_11 = tpu.memref_slice %arg2[%dma_start3A_9, %dma_start3A_10] : memref<100000x128xf32, #tpu.memory_space<hbm>> -> memref<100000x128xf32, #tpu.memory_space<hbm>>
    tpu.enqueue_indirect_dma source(%dma_start3A_11 : memref<100000x128xf32, #tpu.memory_space<hbm>>) target(%dma_start3A_6 : memref<128x128xf32, #tpu.memory_space<vmem>>) offsets(%dma_start3A_8 : memref<128xi32, #tpu.memory_space<vmem>>) semaphore(%arg7 : memref<!tpu.dma_semaphore, #tpu.memory_space<semaphore_mem>>)
    %dma_start3A_12 = arith.constant 1 : i32
    %dma_start3A_13 = arith.constant 0 : i32
    %dma_start3A_14 = arith.constant 0 : i32
    %dma_start3A_15 = tpu.memref_slice %arg6[%dma_start3A_12, %dma_start3A_13, %dma_start3A_14] : memref<5x128x128xf32, #tpu.memory_space<vmem>> -> memref<1x128x128xf32, #tpu.memory_space<vmem>>
    %dma_start3A_16 = tpu.memref_squeeze %dma_start3A_15 : memref<1x128x128xf32, #tpu.memory_space<vmem>> -> memref<128x128xf32, #tpu.memory_space<vmem>>
    %dma_start3A_17 = arith.constant 128 : i32
    %dma_start3A_18 = tpu.memref_slice %arg5[%dma_start3A_17] : memref<25600xi32, #tpu.memory_space<vmem>> -> memref<128xi32, #tpu.memory_space<vmem>>
    %dma_start3A_19 = arith.constant 0 : i32
    %dma_start3A_20 = arith.constant 0 : i32
    %dma_start3A_21 = tpu.memref_slice %arg2[%dma_start3A_19, %dma_start3A_20] : memref<100000x128xf32, #tpu.memory_space<hbm>> -> memref<100000x128xf32, #tpu.memory_space<hbm>>
    tpu.enqueue_indirect_dma source(%dma_start3A_21 : memref<100000x128xf32, #tpu.memory_space<hbm>>) target(%dma_start3A_16 : memref<128x128xf32, #tpu.memory_space<vmem>>) offsets(%dma_start3A_18 : memref<128xi32, #tpu.memory_space<vmem>>) semaphore(%arg8 : memref<!tpu.dma_semaphore, #tpu.memory_space<semaphore_mem>>)
    %dma_start3A_22 = arith.constant 2 : i32
    %dma_start3A_23 = arith.constant 0 : i32
    %dma_start3A_24 = arith.constant 0 : i32
    %dma_start3A_25 = tpu.memref_slice %arg6[%dma_start3A_22, %dma_start3A_23, %dma_start3A_24] : memref<5x128x128xf32, #tpu.memory_space<vmem>> -> memref<1x128x128xf32, #tpu.memory_space<vmem>>
    %dma_start3A_26 = tpu.memref_squeeze %dma_start3A_25 : memref<1x128x128xf32, #tpu.memory_space<vmem>> -> memref<128x128xf32, #tpu.memory_space<vmem>>
    %dma_start3A_27 = arith.constant 256 : i32
    %dma_start3A_28 = tpu.memref_slice %arg5[%dma_start3A_27] : memref<25600xi32, #tpu.memory_space<vmem>> -> memref<128xi32, #tpu.memory_space<vmem>>
    %dma_start3A_29 = arith.constant 0 : i32
    %dma_start3A_30 = arith.constant 0 : i32
    %dma_start3A_31 = tpu.memref_slice %arg2[%dma_start3A_29, %dma_start3A_30] : memref<100000x128xf32, #tpu.memory_space<hbm>> -> memref<100000x128xf32, #tpu.memory_space<hbm>>
    tpu.enqueue_indirect_dma source(%dma_start3A_31 : memref<100000x128xf32, #tpu.memory_space<hbm>>) target(%dma_start3A_26 : memref<128x128xf32, #tpu.memory_space<vmem>>) offsets(%dma_start3A_28 : memref<128xi32, #tpu.memory_space<vmem>>) semaphore(%arg9 : memref<!tpu.dma_semaphore, #tpu.memory_space<semaphore_mem>>)
    %dma_start3A_32 = arith.constant 3 : i32
    %dma_start3A_33 = arith.constant 0 : i32
    %dma_start3A_34 = arith.constant 0 : i32
    %dma_start3A_35 = tpu.memref_slice %arg6[%dma_start3A_32, %dma_start3A_33, %dma_start3A_34] : memref<5x128x128xf32, #tpu.memory_space<vmem>> -> memref<1x128x128xf32, #tpu.memory_space<vmem>>
    %dma_start3A_36 = tpu.memref_squeeze %dma_start3A_35 : memref<1x128x128xf32, #tpu.memory_space<vmem>> -> memref<128x128xf32, #tpu.memory_space<vmem>>
    %dma_start3A_37 = arith.constant 384 : i32
    %dma_start3A_38 = tpu.memref_slice %arg5[%dma_start3A_37] : memref<25600xi32, #tpu.memory_space<vmem>> -> memref<128xi32, #tpu.memory_space<vmem>>
    %dma_start3A_39 = arith.constant 0 : i32
    %dma_start3A_40 = arith.constant 0 : i32
    %dma_start3A_41 = tpu.memref_slice %arg2[%dma_start3A_39, %dma_start3A_40] : memref<100000x128xf32, #tpu.memory_space<hbm>> -> memref<100000x128xf32, #tpu.memory_space<hbm>>
    tpu.enqueue_indirect_dma source(%dma_start3A_41 : memref<100000x128xf32, #tpu.memory_space<hbm>>) target(%dma_start3A_36 : memref<128x128xf32, #tpu.memory_space<vmem>>) offsets(%dma_start3A_38 : memref<128xi32, #tpu.memory_space<vmem>>) semaphore(%arg10 : memref<!tpu.dma_semaphore, #tpu.memory_space<semaphore_mem>>)
    %scan3A = arith.constant 0 : i32
    %scan3A_42 = arith.constant 40 : i32
    %scan3A_43 = arith.addi %scan3A, %scan3A_42 : i32
    %scan3A_44 = arith.constant 1 : i32
    scf.for %scan3A_110 = %scan3A to %scan3A_43 step %scan3A_44  : i32 {
      %mul3A_111 = arith.constant 1 : i32
      %mul3A_112 = arith.muli %scan3A_110, %mul3A_111 : i32
      %add3A_113 = arith.constant 0 : i32
      %add3A_114 = arith.addi %add3A_113, %mul3A_112 : i32
      %mul3A_115 = arith.constant 5 : i32
      %mul3A_116 = arith.muli %add3A_114, %mul3A_115 : i32
      %add3A_117 = arith.constant 0 : i32
      %add3A_118 = arith.addi %mul3A_116, %add3A_117 : i32
      %dma_wait3A_119 = arith.constant 0 : i32
      %dma_wait3A_120 = arith.constant 0 : i32
      %dma_wait3A_121 = arith.constant 0 : i32
      %dma_wait3A_122 = tpu.memref_slice %arg6[%dma_wait3A_119, %dma_wait3A_120, %dma_wait3A_121] : memref<5x128x128xf32, #tpu.memory_space<vmem>> -> memref<1x128x128xf32, #tpu.memory_space<vmem>>
      %dma_wait3A_123 = tpu.memref_squeeze %dma_wait3A_122 : memref<1x128x128xf32, #tpu.memory_space<vmem>> -> memref<128x128xf32, #tpu.memory_space<vmem>>
      %dma_wait3A_124 = arith.constant 0 : i32
      %dma_wait3A_125 = tpu.memref_slice %arg5[%dma_wait3A_124] : memref<25600xi32, #tpu.memory_space<vmem>> -> memref<128xi32, #tpu.memory_space<vmem>>
      %dma_wait3A_126 = arith.constant 0 : i32
      %dma_wait3A_127 = arith.constant 0 : i32
      %dma_wait3A_128 = tpu.memref_slice %arg2[%dma_wait3A_126, %dma_wait3A_127] : memref<100000x128xf32, #tpu.memory_space<hbm>> -> memref<100000x128xf32, #tpu.memory_space<hbm>>
      tpu.wait_indirect_dma semaphore(%arg7 : memref<!tpu.dma_semaphore, #tpu.memory_space<semaphore_mem>>) src(%dma_wait3A_128 : memref<100000x128xf32, #tpu.memory_space<hbm>>) dst(%dma_wait3A_123 : memref<128x128xf32, #tpu.memory_space<vmem>>)
      %mul3A_129 = arith.constant 128 : i32
      %mul3A_130 = arith.muli %add3A_118, %mul3A_129 : i32
      %add3A_131 = arith.addi %mul3A_2, %mul3A_130 : i32
      %dma_start3A_132 = arith.constant 0 : i32
      %dma_start3A_133 = arith.constant 0 : i32
      %dma_start3A_134 = arith.constant 0 : i32
      %dma_start3A_135 = tpu.memref_slice %arg6[%dma_start3A_132, %dma_start3A_133, %dma_start3A_134] : memref<5x128x128xf32, #tpu.memory_space<vmem>> -> memref<1x128x128xf32, #tpu.memory_space<vmem>>
      %dma_start3A_136 = tpu.memref_squeeze %dma_start3A_135 : memref<1x128x128xf32, #tpu.memory_space<vmem>> -> memref<128x128xf32, #tpu.memory_space<vmem>>
      %dma_start3A_137 = arith.constant 0 : i32
      %dma_start3A_138 = tpu.memref_slice %arg4[%add3A_131, %dma_start3A_137] : memref<819200x128xf32, #tpu.memory_space<hbm>> -> memref<128x128xf32, #tpu.memory_space<hbm>>
      %dma_start3A_139 = arith.constant 0 : i32
      %dma_start3A_140 = tpu.memref_slice %arg4[%add3A_131, %dma_start3A_139] : memref<819200x128xf32, #tpu.memory_space<hbm>> -> memref<128x128xf32, #tpu.memory_space<hbm>>
      %dma_start3A_141 = arith.constant 0 : i32
      %dma_start3A_142 = arith.constant 0 : i32
      %dma_start3A_143 = tpu.memref_slice %arg6[%dma_start3A_132, %dma_start3A_141, %dma_start3A_142] : memref<5x128x128xf32, #tpu.memory_space<vmem>> -> memref<1x128x128xf32, #tpu.memory_space<vmem>>
      %dma_start3A_144 = tpu.memref_squeeze %dma_start3A_143 : memref<1x128x128xf32, #tpu.memory_space<vmem>> -> memref<128x128xf32, #tpu.memory_space<vmem>>
      tpu.enqueue_dma source(%dma_start3A_144 : memref<128x128xf32, #tpu.memory_space<vmem>>) target(%dma_start3A_140 : memref<128x128xf32, #tpu.memory_space<hbm>>) target_semaphore(%arg12 : memref<!tpu.dma_semaphore, #tpu.memory_space<semaphore_mem>>)
      %add3A_145 = arith.constant 4 : i32
      %add3A_146 = arith.addi %add3A_118, %add3A_145 : i32
      %lt3A = arith.constant 200 : i32
      %lt3A_147 = arith.cmpi slt, %add3A_146, %lt3A : i32
      %convert_element_type3A = arith.extui %lt3A_147 : i1 to i32
      %cond3A = arith.constant 0 : i32
      %cond3A_148 = arith.cmpi ne, %convert_element_type3A, %cond3A : i32
      scf.if %cond3A_148 {
        %ge3A = arith.constant 1 : i32
        %ge3A_297 = arith.cmpi sge, %add3A_118, %ge3A : i32
        %convert_element_type3A_298 = arith.extui %ge3A_297 : i1 to i32
        %cond3A_299 = arith.constant 0 : i32
        %cond3A_300 = arith.cmpi ne, %convert_element_type3A_298, %cond3A_299 : i32
        scf.if %cond3A_300 {
          %dma_wait3A_312 = arith.constant 4 : i32
          %dma_wait3A_313 = arith.constant 0 : i32
          %dma_wait3A_314 = arith.constant 0 : i32
          %dma_wait3A_315 = tpu.memref_slice %arg6[%dma_wait3A_312, %dma_wait3A_313, %dma_wait3A_314] : memref<5x128x128xf32, #tpu.memory_space<vmem>> -> memref<1x128x128xf32, #tpu.memory_space<vmem>>
          %dma_wait3A_316 = tpu.memref_squeeze %dma_wait3A_315 : memref<1x128x128xf32, #tpu.memory_space<vmem>> -> memref<128x128xf32, #tpu.memory_space<vmem>>
          %dma_wait3A_317 = arith.constant 0 : i32
          %dma_wait3A_318 = tpu.memref_slice %arg4[%mul3A_2, %dma_wait3A_317] : memref<819200x128xf32, #tpu.memory_space<hbm>> -> memref<128x128xf32, #tpu.memory_space<hbm>>
          %dma_wait3A_319 = arith.constant 0 : i32
          %dma_wait3A_320 = tpu.memref_slice %arg4[%mul3A_2, %dma_wait3A_319] : memref<819200x128xf32, #tpu.memory_space<hbm>> -> memref<128x128xf32, #tpu.memory_space<hbm>>
          %dma_wait3A_321 = arith.constant 0 : i32
          %dma_wait3A_322 = arith.constant 0 : i32
          %dma_wait3A_323 = tpu.memref_slice %arg6[%dma_wait3A_312, %dma_wait3A_321, %dma_wait3A_322] : memref<5x128x128xf32, #tpu.memory_space<vmem>> -> memref<1x128x128xf32, #tpu.memory_space<vmem>>
          %dma_wait3A_324 = tpu.memref_squeeze %dma_wait3A_323 : memref<1x128x128xf32, #tpu.memory_space<vmem>> -> memref<128x128xf32, #tpu.memory_space<vmem>>
          tpu.wait_dma2 semaphore(%arg16 : memref<!tpu.dma_semaphore, #tpu.memory_space<semaphore_mem>>) src(%dma_wait3A_324 : memref<128x128xf32, #tpu.memory_space<vmem>>) dst(%dma_wait3A_320 : memref<128x128xf32, #tpu.memory_space<hbm>>)
        } else {
        }
        %mul3A_301 = arith.constant 128 : i32
        %mul3A_302 = arith.muli %add3A_146, %mul3A_301 : i32
        %dma_start3A_303 = arith.constant 4 : i32
        %dma_start3A_304 = arith.constant 0 : i32
        %dma_start3A_305 = arith.constant 0 : i32
        %dma_start3A_306 = tpu.memref_slice %arg6[%dma_start3A_303, %dma_start3A_304, %dma_start3A_305] : memref<5x128x128xf32, #tpu.memory_space<vmem>> -> memref<1x128x128xf32, #tpu.memory_space<vmem>>
        %dma_start3A_307 = tpu.memref_squeeze %dma_start3A_306 : memref<1x128x128xf32, #tpu.memory_space<vmem>> -> memref<128x128xf32, #tpu.memory_space<vmem>>
        %dma_start3A_308 = tpu.memref_slice %arg5[%mul3A_302] : memref<25600xi32, #tpu.memory_space<vmem>> -> memref<128xi32, #tpu.memory_space<vmem>>
        %dma_start3A_309 = arith.constant 0 : i32
        %dma_start3A_310 = arith.constant 0 : i32
        %dma_start3A_311 = tpu.memref_slice %arg2[%dma_start3A_309, %dma_start3A_310] : memref<100000x128xf32, #tpu.memory_space<hbm>> -> memref<100000x128xf32, #tpu.memory_space<hbm>>
        tpu.enqueue_indirect_dma source(%dma_start3A_311 : memref<100000x128xf32, #tpu.memory_space<hbm>>) target(%dma_start3A_307 : memref<128x128xf32, #tpu.memory_space<vmem>>) offsets(%dma_start3A_308 : memref<128xi32, #tpu.memory_space<vmem>>) semaphore(%arg11 : memref<!tpu.dma_semaphore, #tpu.memory_space<semaphore_mem>>)
      } else {
      }
      %mul3A_149 = arith.constant 5 : i32
      %mul3A_150 = arith.muli %add3A_114, %mul3A_149 : i32
      %add3A_151 = arith.constant 1 : i32
      %add3A_152 = arith.addi %mul3A_150, %add3A_151 : i32
      %dma_wait3A_153 = arith.constant 1 : i32
      %dma_wait3A_154 = arith.constant 0 : i32
      %dma_wait3A_155 = arith.constant 0 : i32
      %dma_wait3A_156 = tpu.memref_slice %arg6[%dma_wait3A_153, %dma_wait3A_154, %dma_wait3A_155] : memref<5x128x128xf32, #tpu.memory_space<vmem>> -> memref<1x128x128xf32, #tpu.memory_space<vmem>>
      %dma_wait3A_157 = tpu.memref_squeeze %dma_wait3A_156 : memref<1x128x128xf32, #tpu.memory_space<vmem>> -> memref<128x128xf32, #tpu.memory_space<vmem>>
      %dma_wait3A_158 = arith.constant 0 : i32
      %dma_wait3A_159 = tpu.memref_slice %arg5[%dma_wait3A_158] : memref<25600xi32, #tpu.memory_space<vmem>> -> memref<128xi32, #tpu.memory_space<vmem>>
      %dma_wait3A_160 = arith.constant 0 : i32
      %dma_wait3A_161 = arith.constant 0 : i32
      %dma_wait3A_162 = tpu.memref_slice %arg2[%dma_wait3A_160, %dma_wait3A_161] : memref<100000x128xf32, #tpu.memory_space<hbm>> -> memref<100000x128xf32, #tpu.memory_space<hbm>>
      tpu.wait_indirect_dma semaphore(%arg8 : memref<!tpu.dma_semaphore, #tpu.memory_space<semaphore_mem>>) src(%dma_wait3A_162 : memref<100000x128xf32, #tpu.memory_space<hbm>>) dst(%dma_wait3A_157 : memref<128x128xf32, #tpu.memory_space<vmem>>)
      %mul3A_163 = arith.constant 128 : i32
      %mul3A_164 = arith.muli %add3A_152, %mul3A_163 : i32
      %add3A_165 = arith.addi %mul3A_2, %mul3A_164 : i32
      %dma_start3A_166 = arith.constant 1 : i32
      %dma_start3A_167 = arith.constant 0 : i32
      %dma_start3A_168 = arith.constant 0 : i32
      %dma_start3A_169 = tpu.memref_slice %arg6[%dma_start3A_166, %dma_start3A_167, %dma_start3A_168] : memref<5x128x128xf32, #tpu.memory_space<vmem>> -> memref<1x128x128xf32, #tpu.memory_space<vmem>>
      %dma_start3A_170 = tpu.memref_squeeze %dma_start3A_169 : memref<1x128x128xf32, #tpu.memory_space<vmem>> -> memref<128x128xf32, #tpu.memory_space<vmem>>
      %dma_start3A_171 = arith.constant 0 : i32
      %dma_start3A_172 = tpu.memref_slice %arg4[%add3A_165, %dma_start3A_171] : memref<819200x128xf32, #tpu.memory_space<hbm>> -> memref<128x128xf32, #tpu.memory_space<hbm>>
      %dma_start3A_173 = arith.constant 0 : i32
      %dma_start3A_174 = tpu.memref_slice %arg4[%add3A_165, %dma_start3A_173] : memref<819200x128xf32, #tpu.memory_space<hbm>> -> memref<128x128xf32, #tpu.memory_space<hbm>>
      %dma_start3A_175 = arith.constant 0 : i32
      %dma_start3A_176 = arith.constant 0 : i32
      %dma_start3A_177 = tpu.memref_slice %arg6[%dma_start3A_166, %dma_start3A_175, %dma_start3A_176] : memref<5x128x128xf32, #tpu.memory_space<vmem>> -> memref<1x128x128xf32, #tpu.memory_space<vmem>>
      %dma_start3A_178 = tpu.memref_squeeze %dma_start3A_177 : memref<1x128x128xf32, #tpu.memory_space<vmem>> -> memref<128x128xf32, #tpu.memory_space<vmem>>
      tpu.enqueue_dma source(%dma_start3A_178 : memref<128x128xf32, #tpu.memory_space<vmem>>) target(%dma_start3A_174 : memref<128x128xf32, #tpu.memory_space<hbm>>) target_semaphore(%arg13 : memref<!tpu.dma_semaphore, #tpu.memory_space<semaphore_mem>>)
      %add3A_179 = arith.constant 4 : i32
      %add3A_180 = arith.addi %add3A_152, %add3A_179 : i32
      %lt3A_181 = arith.constant 200 : i32
      %lt3A_182 = arith.cmpi slt, %add3A_180, %lt3A_181 : i32
      %convert_element_type3A_183 = arith.extui %lt3A_182 : i1 to i32
      %cond3A_184 = arith.constant 0 : i32
      %cond3A_185 = arith.cmpi ne, %convert_element_type3A_183, %cond3A_184 : i32
      scf.if %cond3A_185 {
        %ge3A = arith.constant 1 : i32
        %ge3A_297 = arith.cmpi sge, %add3A_152, %ge3A : i32
        %convert_element_type3A_298 = arith.extui %ge3A_297 : i1 to i32
        %cond3A_299 = arith.constant 0 : i32
        %cond3A_300 = arith.cmpi ne, %convert_element_type3A_298, %cond3A_299 : i32
        scf.if %cond3A_300 {
          %dma_wait3A_312 = arith.constant 0 : i32
          %dma_wait3A_313 = arith.constant 0 : i32
          %dma_wait3A_314 = arith.constant 0 : i32
          %dma_wait3A_315 = tpu.memref_slice %arg6[%dma_wait3A_312, %dma_wait3A_313, %dma_wait3A_314] : memref<5x128x128xf32, #tpu.memory_space<vmem>> -> memref<1x128x128xf32, #tpu.memory_space<vmem>>
          %dma_wait3A_316 = tpu.memref_squeeze %dma_wait3A_315 : memref<1x128x128xf32, #tpu.memory_space<vmem>> -> memref<128x128xf32, #tpu.memory_space<vmem>>
          %dma_wait3A_317 = arith.constant 0 : i32
          %dma_wait3A_318 = tpu.memref_slice %arg4[%mul3A_2, %dma_wait3A_317] : memref<819200x128xf32, #tpu.memory_space<hbm>> -> memref<128x128xf32, #tpu.memory_space<hbm>>
          %dma_wait3A_319 = arith.constant 0 : i32
          %dma_wait3A_320 = tpu.memref_slice %arg4[%mul3A_2, %dma_wait3A_319] : memref<819200x128xf32, #tpu.memory_space<hbm>> -> memref<128x128xf32, #tpu.memory_space<hbm>>
          %dma_wait3A_321 = arith.constant 0 : i32
          %dma_wait3A_322 = arith.constant 0 : i32
          %dma_wait3A_323 = tpu.memref_slice %arg6[%dma_wait3A_312, %dma_wait3A_321, %dma_wait3A_322] : memref<5x128x128xf32, #tpu.memory_space<vmem>> -> memref<1x128x128xf32, #tpu.memory_space<vmem>>
          %dma_wait3A_324 = tpu.memref_squeeze %dma_wait3A_323 : memref<1x128x128xf32, #tpu.memory_space<vmem>> -> memref<128x128xf32, #tpu.memory_space<vmem>>
          tpu.wait_dma2 semaphore(%arg12 : memref<!tpu.dma_semaphore, #tpu.memory_space<semaphore_mem>>) src(%dma_wait3A_324 : memref<128x128xf32, #tpu.memory_space<vmem>>) dst(%dma_wait3A_320 : memref<128x128xf32, #tpu.memory_space<hbm>>)
        } else {
        }
        %mul3A_301 = arith.constant 128 : i32
        %mul3A_302 = arith.muli %add3A_180, %mul3A_301 : i32
        %dma_start3A_303 = arith.constant 0 : i32
        %dma_start3A_304 = arith.constant 0 : i32
        %dma_start3A_305 = arith.constant 0 : i32
        %dma_start3A_306 = tpu.memref_slice %arg6[%dma_start3A_303, %dma_start3A_304, %dma_start3A_305] : memref<5x128x128xf32, #tpu.memory_space<vmem>> -> memref<1x128x128xf32, #tpu.memory_space<vmem>>
        %dma_start3A_307 = tpu.memref_squeeze %dma_start3A_306 : memref<1x128x128xf32, #tpu.memory_space<vmem>> -> memref<128x128xf32, #tpu.memory_space<vmem>>
        %dma_start3A_308 = tpu.memref_slice %arg5[%mul3A_302] : memref<25600xi32, #tpu.memory_space<vmem>> -> memref<128xi32, #tpu.memory_space<vmem>>
        %dma_start3A_309 = arith.constant 0 : i32
        %dma_start3A_310 = arith.constant 0 : i32
        %dma_start3A_311 = tpu.memref_slice %arg2[%dma_start3A_309, %dma_start3A_310] : memref<100000x128xf32, #tpu.memory_space<hbm>> -> memref<100000x128xf32, #tpu.memory_space<hbm>>
        tpu.enqueue_indirect_dma source(%dma_start3A_311 : memref<100000x128xf32, #tpu.memory_space<hbm>>) target(%dma_start3A_307 : memref<128x128xf32, #tpu.memory_space<vmem>>) offsets(%dma_start3A_308 : memref<128xi32, #tpu.memory_space<vmem>>) semaphore(%arg7 : memref<!tpu.dma_semaphore, #tpu.memory_space<semaphore_mem>>)
      } else {
      }
      %mul3A_186 = arith.constant 5 : i32
      %mul3A_187 = arith.muli %add3A_114, %mul3A_186 : i32
      %add3A_188 = arith.constant 2 : i32
      %add3A_189 = arith.addi %mul3A_187, %add3A_188 : i32
      %dma_wait3A_190 = arith.constant 2 : i32
      %dma_wait3A_191 = arith.constant 0 : i32
      %dma_wait3A_192 = arith.constant 0 : i32
      %dma_wait3A_193 = tpu.memref_slice %arg6[%dma_wait3A_190, %dma_wait3A_191, %dma_wait3A_192] : memref<5x128x128xf32, #tpu.memory_space<vmem>> -> memref<1x128x128xf32, #tpu.memory_space<vmem>>
      %dma_wait3A_194 = tpu.memref_squeeze %dma_wait3A_193 : memref<1x128x128xf32, #tpu.memory_space<vmem>> -> memref<128x128xf32, #tpu.memory_space<vmem>>
      %dma_wait3A_195 = arith.constant 0 : i32
      %dma_wait3A_196 = tpu.memref_slice %arg5[%dma_wait3A_195] : memref<25600xi32, #tpu.memory_space<vmem>> -> memref<128xi32, #tpu.memory_space<vmem>>
      %dma_wait3A_197 = arith.constant 0 : i32
      %dma_wait3A_198 = arith.constant 0 : i32
      %dma_wait3A_199 = tpu.memref_slice %arg2[%dma_wait3A_197, %dma_wait3A_198] : memref<100000x128xf32, #tpu.memory_space<hbm>> -> memref<100000x128xf32, #tpu.memory_space<hbm>>
      tpu.wait_indirect_dma semaphore(%arg9 : memref<!tpu.dma_semaphore, #tpu.memory_space<semaphore_mem>>) src(%dma_wait3A_199 : memref<100000x128xf32, #tpu.memory_space<hbm>>) dst(%dma_wait3A_194 : memref<128x128xf32, #tpu.memory_space<vmem>>)
      %mul3A_200 = arith.constant 128 : i32
      %mul3A_201 = arith.muli %add3A_189, %mul3A_200 : i32
      %add3A_202 = arith.addi %mul3A_2, %mul3A_201 : i32
      %dma_start3A_203 = arith.constant 2 : i32
      %dma_start3A_204 = arith.constant 0 : i32
      %dma_start3A_205 = arith.constant 0 : i32
      %dma_start3A_206 = tpu.memref_slice %arg6[%dma_start3A_203, %dma_start3A_204, %dma_start3A_205] : memref<5x128x128xf32, #tpu.memory_space<vmem>> -> memref<1x128x128xf32, #tpu.memory_space<vmem>>
      %dma_start3A_207 = tpu.memref_squeeze %dma_start3A_206 : memref<1x128x128xf32, #tpu.memory_space<vmem>> -> memref<128x128xf32, #tpu.memory_space<vmem>>
      %dma_start3A_208 = arith.constant 0 : i32
      %dma_start3A_209 = tpu.memref_slice %arg4[%add3A_202, %dma_start3A_208] : memref<819200x128xf32, #tpu.memory_space<hbm>> -> memref<128x128xf32, #tpu.memory_space<hbm>>
      %dma_start3A_210 = arith.constant 0 : i32
      %dma_start3A_211 = tpu.memref_slice %arg4[%add3A_202, %dma_start3A_210] : memref<819200x128xf32, #tpu.memory_space<hbm>> -> memref<128x128xf32, #tpu.memory_space<hbm>>
      %dma_start3A_212 = arith.constant 0 : i32
      %dma_start3A_213 = arith.constant 0 : i32
      %dma_start3A_214 = tpu.memref_slice %arg6[%dma_start3A_203, %dma_start3A_212, %dma_start3A_213] : memref<5x128x128xf32, #tpu.memory_space<vmem>> -> memref<1x128x128xf32, #tpu.memory_space<vmem>>
      %dma_start3A_215 = tpu.memref_squeeze %dma_start3A_214 : memref<1x128x128xf32, #tpu.memory_space<vmem>> -> memref<128x128xf32, #tpu.memory_space<vmem>>
      tpu.enqueue_dma source(%dma_start3A_215 : memref<128x128xf32, #tpu.memory_space<vmem>>) target(%dma_start3A_211 : memref<128x128xf32, #tpu.memory_space<hbm>>) target_semaphore(%arg14 : memref<!tpu.dma_semaphore, #tpu.memory_space<semaphore_mem>>)
      %add3A_216 = arith.constant 4 : i32
      %add3A_217 = arith.addi %add3A_189, %add3A_216 : i32
      %lt3A_218 = arith.constant 200 : i32
      %lt3A_219 = arith.cmpi slt, %add3A_217, %lt3A_218 : i32
      %convert_element_type3A_220 = arith.extui %lt3A_219 : i1 to i32
      %cond3A_221 = arith.constant 0 : i32
      %cond3A_222 = arith.cmpi ne, %convert_element_type3A_220, %cond3A_221 : i32
      scf.if %cond3A_222 {
        %ge3A = arith.constant 1 : i32
        %ge3A_297 = arith.cmpi sge, %add3A_189, %ge3A : i32
        %convert_element_type3A_298 = arith.extui %ge3A_297 : i1 to i32
        %cond3A_299 = arith.constant 0 : i32
        %cond3A_300 = arith.cmpi ne, %convert_element_type3A_298, %cond3A_299 : i32
        scf.if %cond3A_300 {
          %dma_wait3A_312 = arith.constant 1 : i32
          %dma_wait3A_313 = arith.constant 0 : i32
          %dma_wait3A_314 = arith.constant 0 : i32
          %dma_wait3A_315 = tpu.memref_slice %arg6[%dma_wait3A_312, %dma_wait3A_313, %dma_wait3A_314] : memref<5x128x128xf32, #tpu.memory_space<vmem>> -> memref<1x128x128xf32, #tpu.memory_space<vmem>>
          %dma_wait3A_316 = tpu.memref_squeeze %dma_wait3A_315 : memref<1x128x128xf32, #tpu.memory_space<vmem>> -> memref<128x128xf32, #tpu.memory_space<vmem>>
          %dma_wait3A_317 = arith.constant 0 : i32
          %dma_wait3A_318 = tpu.memref_slice %arg4[%mul3A_2, %dma_wait3A_317] : memref<819200x128xf32, #tpu.memory_space<hbm>> -> memref<128x128xf32, #tpu.memory_space<hbm>>
          %dma_wait3A_319 = arith.constant 0 : i32
          %dma_wait3A_320 = tpu.memref_slice %arg4[%mul3A_2, %dma_wait3A_319] : memref<819200x128xf32, #tpu.memory_space<hbm>> -> memref<128x128xf32, #tpu.memory_space<hbm>>
          %dma_wait3A_321 = arith.constant 0 : i32
          %dma_wait3A_322 = arith.constant 0 : i32
          %dma_wait3A_323 = tpu.memref_slice %arg6[%dma_wait3A_312, %dma_wait3A_321, %dma_wait3A_322] : memref<5x128x128xf32, #tpu.memory_space<vmem>> -> memref<1x128x128xf32, #tpu.memory_space<vmem>>
          %dma_wait3A_324 = tpu.memref_squeeze %dma_wait3A_323 : memref<1x128x128xf32, #tpu.memory_space<vmem>> -> memref<128x128xf32, #tpu.memory_space<vmem>>
          tpu.wait_dma2 semaphore(%arg13 : memref<!tpu.dma_semaphore, #tpu.memory_space<semaphore_mem>>) src(%dma_wait3A_324 : memref<128x128xf32, #tpu.memory_space<vmem>>) dst(%dma_wait3A_320 : memref<128x128xf32, #tpu.memory_space<hbm>>)
        } else {
        }
        %mul3A_301 = arith.constant 128 : i32
        %mul3A_302 = arith.muli %add3A_217, %mul3A_301 : i32
        %dma_start3A_303 = arith.constant 1 : i32
        %dma_start3A_304 = arith.constant 0 : i32
        %dma_start3A_305 = arith.constant 0 : i32
        %dma_start3A_306 = tpu.memref_slice %arg6[%dma_start3A_303, %dma_start3A_304, %dma_start3A_305] : memref<5x128x128xf32, #tpu.memory_space<vmem>> -> memref<1x128x128xf32, #tpu.memory_space<vmem>>
        %dma_start3A_307 = tpu.memref_squeeze %dma_start3A_306 : memref<1x128x128xf32, #tpu.memory_space<vmem>> -> memref<128x128xf32, #tpu.memory_space<vmem>>
        %dma_start3A_308 = tpu.memref_slice %arg5[%mul3A_302] : memref<25600xi32, #tpu.memory_space<vmem>> -> memref<128xi32, #tpu.memory_space<vmem>>
        %dma_start3A_309 = arith.constant 0 : i32
        %dma_start3A_310 = arith.constant 0 : i32
        %dma_start3A_311 = tpu.memref_slice %arg2[%dma_start3A_309, %dma_start3A_310] : memref<100000x128xf32, #tpu.memory_space<hbm>> -> memref<100000x128xf32, #tpu.memory_space<hbm>>
        tpu.enqueue_indirect_dma source(%dma_start3A_311 : memref<100000x128xf32, #tpu.memory_space<hbm>>) target(%dma_start3A_307 : memref<128x128xf32, #tpu.memory_space<vmem>>) offsets(%dma_start3A_308 : memref<128xi32, #tpu.memory_space<vmem>>) semaphore(%arg8 : memref<!tpu.dma_semaphore, #tpu.memory_space<semaphore_mem>>)
      } else {
      }
      %mul3A_223 = arith.constant 5 : i32
      %mul3A_224 = arith.muli %add3A_114, %mul3A_223 : i32
      %add3A_225 = arith.constant 3 : i32
      %add3A_226 = arith.addi %mul3A_224, %add3A_225 : i32
      %dma_wait3A_227 = arith.constant 3 : i32
      %dma_wait3A_228 = arith.constant 0 : i32
      %dma_wait3A_229 = arith.constant 0 : i32
      %dma_wait3A_230 = tpu.memref_slice %arg6[%dma_wait3A_227, %dma_wait3A_228, %dma_wait3A_229] : memref<5x128x128xf32, #tpu.memory_space<vmem>> -> memref<1x128x128xf32, #tpu.memory_space<vmem>>
      %dma_wait3A_231 = tpu.memref_squeeze %dma_wait3A_230 : memref<1x128x128xf32, #tpu.memory_space<vmem>> -> memref<128x128xf32, #tpu.memory_space<vmem>>
      %dma_wait3A_232 = arith.constant 0 : i32
      %dma_wait3A_233 = tpu.memref_slice %arg5[%dma_wait3A_232] : memref<25600xi32, #tpu.memory_space<vmem>> -> memref<128xi32, #tpu.memory_space<vmem>>
      %dma_wait3A_234 = arith.constant 0 : i32
      %dma_wait3A_235 = arith.constant 0 : i32
      %dma_wait3A_236 = tpu.memref_slice %arg2[%dma_wait3A_234, %dma_wait3A_235] : memref<100000x128xf32, #tpu.memory_space<hbm>> -> memref<100000x128xf32, #tpu.memory_space<hbm>>
      tpu.wait_indirect_dma semaphore(%arg10 : memref<!tpu.dma_semaphore, #tpu.memory_space<semaphore_mem>>) src(%dma_wait3A_236 : memref<100000x128xf32, #tpu.memory_space<hbm>>) dst(%dma_wait3A_231 : memref<128x128xf32, #tpu.memory_space<vmem>>)
      %mul3A_237 = arith.constant 128 : i32
      %mul3A_238 = arith.muli %add3A_226, %mul3A_237 : i32
      %add3A_239 = arith.addi %mul3A_2, %mul3A_238 : i32
      %dma_start3A_240 = arith.constant 3 : i32
      %dma_start3A_241 = arith.constant 0 : i32
      %dma_start3A_242 = arith.constant 0 : i32
      %dma_start3A_243 = tpu.memref_slice %arg6[%dma_start3A_240, %dma_start3A_241, %dma_start3A_242] : memref<5x128x128xf32, #tpu.memory_space<vmem>> -> memref<1x128x128xf32, #tpu.memory_space<vmem>>
      %dma_start3A_244 = tpu.memref_squeeze %dma_start3A_243 : memref<1x128x128xf32, #tpu.memory_space<vmem>> -> memref<128x128xf32, #tpu.memory_space<vmem>>
      %dma_start3A_245 = arith.constant 0 : i32
      %dma_start3A_246 = tpu.memref_slice %arg4[%add3A_239, %dma_start3A_245] : memref<819200x128xf32, #tpu.memory_space<hbm>> -> memref<128x128xf32, #tpu.memory_space<hbm>>
      %dma_start3A_247 = arith.constant 0 : i32
      %dma_start3A_248 = tpu.memref_slice %arg4[%add3A_239, %dma_start3A_247] : memref<819200x128xf32, #tpu.memory_space<hbm>> -> memref<128x128xf32, #tpu.memory_space<hbm>>
      %dma_start3A_249 = arith.constant 0 : i32
      %dma_start3A_250 = arith.constant 0 : i32
      %dma_start3A_251 = tpu.memref_slice %arg6[%dma_start3A_240, %dma_start3A_249, %dma_start3A_250] : memref<5x128x128xf32, #tpu.memory_space<vmem>> -> memref<1x128x128xf32, #tpu.memory_space<vmem>>
      %dma_start3A_252 = tpu.memref_squeeze %dma_start3A_251 : memref<1x128x128xf32, #tpu.memory_space<vmem>> -> memref<128x128xf32, #tpu.memory_space<vmem>>
      tpu.enqueue_dma source(%dma_start3A_252 : memref<128x128xf32, #tpu.memory_space<vmem>>) target(%dma_start3A_248 : memref<128x128xf32, #tpu.memory_space<hbm>>) target_semaphore(%arg15 : memref<!tpu.dma_semaphore, #tpu.memory_space<semaphore_mem>>)
      %add3A_253 = arith.constant 4 : i32
      %add3A_254 = arith.addi %add3A_226, %add3A_253 : i32
      %lt3A_255 = arith.constant 200 : i32
      %lt3A_256 = arith.cmpi slt, %add3A_254, %lt3A_255 : i32
      %convert_element_type3A_257 = arith.extui %lt3A_256 : i1 to i32
      %cond3A_258 = arith.constant 0 : i32
      %cond3A_259 = arith.cmpi ne, %convert_element_type3A_257, %cond3A_258 : i32
      scf.if %cond3A_259 {
        %ge3A = arith.constant 1 : i32
        %ge3A_297 = arith.cmpi sge, %add3A_226, %ge3A : i32
        %convert_element_type3A_298 = arith.extui %ge3A_297 : i1 to i32
        %cond3A_299 = arith.constant 0 : i32
        %cond3A_300 = arith.cmpi ne, %convert_element_type3A_298, %cond3A_299 : i32
        scf.if %cond3A_300 {
          %dma_wait3A_312 = arith.constant 2 : i32
          %dma_wait3A_313 = arith.constant 0 : i32
          %dma_wait3A_314 = arith.constant 0 : i32
          %dma_wait3A_315 = tpu.memref_slice %arg6[%dma_wait3A_312, %dma_wait3A_313, %dma_wait3A_314] : memref<5x128x128xf32, #tpu.memory_space<vmem>> -> memref<1x128x128xf32, #tpu.memory_space<vmem>>
          %dma_wait3A_316 = tpu.memref_squeeze %dma_wait3A_315 : memref<1x128x128xf32, #tpu.memory_space<vmem>> -> memref<128x128xf32, #tpu.memory_space<vmem>>
          %dma_wait3A_317 = arith.constant 0 : i32
          %dma_wait3A_318 = tpu.memref_slice %arg4[%mul3A_2, %dma_wait3A_317] : memref<819200x128xf32, #tpu.memory_space<hbm>> -> memref<128x128xf32, #tpu.memory_space<hbm>>
          %dma_wait3A_319 = arith.constant 0 : i32
          %dma_wait3A_320 = tpu.memref_slice %arg4[%mul3A_2, %dma_wait3A_319] : memref<819200x128xf32, #tpu.memory_space<hbm>> -> memref<128x128xf32, #tpu.memory_space<hbm>>
          %dma_wait3A_321 = arith.constant 0 : i32
          %dma_wait3A_322 = arith.constant 0 : i32
          %dma_wait3A_323 = tpu.memref_slice %arg6[%dma_wait3A_312, %dma_wait3A_321, %dma_wait3A_322] : memref<5x128x128xf32, #tpu.memory_space<vmem>> -> memref<1x128x128xf32, #tpu.memory_space<vmem>>
          %dma_wait3A_324 = tpu.memref_squeeze %dma_wait3A_323 : memref<1x128x128xf32, #tpu.memory_space<vmem>> -> memref<128x128xf32, #tpu.memory_space<vmem>>
          tpu.wait_dma2 semaphore(%arg14 : memref<!tpu.dma_semaphore, #tpu.memory_space<semaphore_mem>>) src(%dma_wait3A_324 : memref<128x128xf32, #tpu.memory_space<vmem>>) dst(%dma_wait3A_320 : memref<128x128xf32, #tpu.memory_space<hbm>>)
        } else {
        }
        %mul3A_301 = arith.constant 128 : i32
        %mul3A_302 = arith.muli %add3A_254, %mul3A_301 : i32
        %dma_start3A_303 = arith.constant 2 : i32
        %dma_start3A_304 = arith.constant 0 : i32
        %dma_start3A_305 = arith.constant 0 : i32
        %dma_start3A_306 = tpu.memref_slice %arg6[%dma_start3A_303, %dma_start3A_304, %dma_start3A_305] : memref<5x128x128xf32, #tpu.memory_space<vmem>> -> memref<1x128x128xf32, #tpu.memory_space<vmem>>
        %dma_start3A_307 = tpu.memref_squeeze %dma_start3A_306 : memref<1x128x128xf32, #tpu.memory_space<vmem>> -> memref<128x128xf32, #tpu.memory_space<vmem>>
        %dma_start3A_308 = tpu.memref_slice %arg5[%mul3A_302] : memref<25600xi32, #tpu.memory_space<vmem>> -> memref<128xi32, #tpu.memory_space<vmem>>
        %dma_start3A_309 = arith.constant 0 : i32
        %dma_start3A_310 = arith.constant 0 : i32
        %dma_start3A_311 = tpu.memref_slice %arg2[%dma_start3A_309, %dma_start3A_310] : memref<100000x128xf32, #tpu.memory_space<hbm>> -> memref<100000x128xf32, #tpu.memory_space<hbm>>
        tpu.enqueue_indirect_dma source(%dma_start3A_311 : memref<100000x128xf32, #tpu.memory_space<hbm>>) target(%dma_start3A_307 : memref<128x128xf32, #tpu.memory_space<vmem>>) offsets(%dma_start3A_308 : memref<128xi32, #tpu.memory_space<vmem>>) semaphore(%arg9 : memref<!tpu.dma_semaphore, #tpu.memory_space<semaphore_mem>>)
      } else {
      }
      %mul3A_260 = arith.constant 5 : i32
      %mul3A_261 = arith.muli %add3A_114, %mul3A_260 : i32
      %add3A_262 = arith.constant 4 : i32
      %add3A_263 = arith.addi %mul3A_261, %add3A_262 : i32
      %dma_wait3A_264 = arith.constant 4 : i32
      %dma_wait3A_265 = arith.constant 0 : i32
      %dma_wait3A_266 = arith.constant 0 : i32
      %dma_wait3A_267 = tpu.memref_slice %arg6[%dma_wait3A_264, %dma_wait3A_265, %dma_wait3A_266] : memref<5x128x128xf32, #tpu.memory_space<vmem>> -> memref<1x128x128xf32, #tpu.memory_space<vmem>>
      %dma_wait3A_268 = tpu.memref_squeeze %dma_wait3A_267 : memref<1x128x128xf32, #tpu.memory_space<vmem>> -> memref<128x128xf32, #tpu.memory_space<vmem>>
      %dma_wait3A_269 = arith.constant 0 : i32
      %dma_wait3A_270 = tpu.memref_slice %arg5[%dma_wait3A_269] : memref<25600xi32, #tpu.memory_space<vmem>> -> memref<128xi32, #tpu.memory_space<vmem>>
      %dma_wait3A_271 = arith.constant 0 : i32
      %dma_wait3A_272 = arith.constant 0 : i32
      %dma_wait3A_273 = tpu.memref_slice %arg2[%dma_wait3A_271, %dma_wait3A_272] : memref<100000x128xf32, #tpu.memory_space<hbm>> -> memref<100000x128xf32, #tpu.memory_space<hbm>>
      tpu.wait_indirect_dma semaphore(%arg11 : memref<!tpu.dma_semaphore, #tpu.memory_space<semaphore_mem>>) src(%dma_wait3A_273 : memref<100000x128xf32, #tpu.memory_space<hbm>>) dst(%dma_wait3A_268 : memref<128x128xf32, #tpu.memory_space<vmem>>)
      %mul3A_274 = arith.constant 128 : i32
      %mul3A_275 = arith.muli %add3A_263, %mul3A_274 : i32
      %add3A_276 = arith.addi %mul3A_2, %mul3A_275 : i32
      %dma_start3A_277 = arith.constant 4 : i32
      %dma_start3A_278 = arith.constant 0 : i32
      %dma_start3A_279 = arith.constant 0 : i32
      %dma_start3A_280 = tpu.memref_slice %arg6[%dma_start3A_277, %dma_start3A_278, %dma_start3A_279] : memref<5x128x128xf32, #tpu.memory_space<vmem>> -> memref<1x128x128xf32, #tpu.memory_space<vmem>>
      %dma_start3A_281 = tpu.memref_squeeze %dma_start3A_280 : memref<1x128x128xf32, #tpu.memory_space<vmem>> -> memref<128x128xf32, #tpu.memory_space<vmem>>
      %dma_start3A_282 = arith.constant 0 : i32
      %dma_start3A_283 = tpu.memref_slice %arg4[%add3A_276, %dma_start3A_282] : memref<819200x128xf32, #tpu.memory_space<hbm>> -> memref<128x128xf32, #tpu.memory_space<hbm>>
      %dma_start3A_284 = arith.constant 0 : i32
      %dma_start3A_285 = tpu.memref_slice %arg4[%add3A_276, %dma_start3A_284] : memref<819200x128xf32, #tpu.memory_space<hbm>> -> memref<128x128xf32, #tpu.memory_space<hbm>>
      %dma_start3A_286 = arith.constant 0 : i32
      %dma_start3A_287 = arith.constant 0 : i32
      %dma_start3A_288 = tpu.memref_slice %arg6[%dma_start3A_277, %dma_start3A_286, %dma_start3A_287] : memref<5x128x128xf32, #tpu.memory_space<vmem>> -> memref<1x128x128xf32, #tpu.memory_space<vmem>>
      %dma_start3A_289 = tpu.memref_squeeze %dma_start3A_288 : memref<1x128x128xf32, #tpu.memory_space<vmem>> -> memref<128x128xf32, #tpu.memory_space<vmem>>
      tpu.enqueue_dma source(%dma_start3A_289 : memref<128x128xf32, #tpu.memory_space<vmem>>) target(%dma_start3A_285 : memref<128x128xf32, #tpu.memory_space<hbm>>) target_semaphore(%arg16 : memref<!tpu.dma_semaphore, #tpu.memory_space<semaphore_mem>>)
      %add3A_290 = arith.constant 4 : i32
      %add3A_291 = arith.addi %add3A_263, %add3A_290 : i32
      %lt3A_292 = arith.constant 200 : i32
      %lt3A_293 = arith.cmpi slt, %add3A_291, %lt3A_292 : i32
      %convert_element_type3A_294 = arith.extui %lt3A_293 : i1 to i32
      %cond3A_295 = arith.constant 0 : i32
      %cond3A_296 = arith.cmpi ne, %convert_element_type3A_294, %cond3A_295 : i32
      scf.if %cond3A_296 {
        %ge3A = arith.constant 1 : i32
        %ge3A_297 = arith.cmpi sge, %add3A_263, %ge3A : i32
        %convert_element_type3A_298 = arith.extui %ge3A_297 : i1 to i32
        %cond3A_299 = arith.constant 0 : i32
        %cond3A_300 = arith.cmpi ne, %convert_element_type3A_298, %cond3A_299 : i32
        scf.if %cond3A_300 {
          %dma_wait3A_312 = arith.constant 3 : i32
          %dma_wait3A_313 = arith.constant 0 : i32
          %dma_wait3A_314 = arith.constant 0 : i32
          %dma_wait3A_315 = tpu.memref_slice %arg6[%dma_wait3A_312, %dma_wait3A_313, %dma_wait3A_314] : memref<5x128x128xf32, #tpu.memory_space<vmem>> -> memref<1x128x128xf32, #tpu.memory_space<vmem>>
          %dma_wait3A_316 = tpu.memref_squeeze %dma_wait3A_315 : memref<1x128x128xf32, #tpu.memory_space<vmem>> -> memref<128x128xf32, #tpu.memory_space<vmem>>
          %dma_wait3A_317 = arith.constant 0 : i32
          %dma_wait3A_318 = tpu.memref_slice %arg4[%mul3A_2, %dma_wait3A_317] : memref<819200x128xf32, #tpu.memory_space<hbm>> -> memref<128x128xf32, #tpu.memory_space<hbm>>
          %dma_wait3A_319 = arith.constant 0 : i32
          %dma_wait3A_320 = tpu.memref_slice %arg4[%mul3A_2, %dma_wait3A_319] : memref<819200x128xf32, #tpu.memory_space<hbm>> -> memref<128x128xf32, #tpu.memory_space<hbm>>
          %dma_wait3A_321 = arith.constant 0 : i32
          %dma_wait3A_322 = arith.constant 0 : i32
          %dma_wait3A_323 = tpu.memref_slice %arg6[%dma_wait3A_312, %dma_wait3A_321, %dma_wait3A_322] : memref<5x128x128xf32, #tpu.memory_space<vmem>> -> memref<1x128x128xf32, #tpu.memory_space<vmem>>
          %dma_wait3A_324 = tpu.memref_squeeze %dma_wait3A_323 : memref<1x128x128xf32, #tpu.memory_space<vmem>> -> memref<128x128xf32, #tpu.memory_space<vmem>>
          tpu.wait_dma2 semaphore(%arg15 : memref<!tpu.dma_semaphore, #tpu.memory_space<semaphore_mem>>) src(%dma_wait3A_324 : memref<128x128xf32, #tpu.memory_space<vmem>>) dst(%dma_wait3A_320 : memref<128x128xf32, #tpu.memory_space<hbm>>)
        } else {
        }
        %mul3A_301 = arith.constant 128 : i32
        %mul3A_302 = arith.muli %add3A_291, %mul3A_301 : i32
        %dma_start3A_303 = arith.constant 3 : i32
        %dma_start3A_304 = arith.constant 0 : i32
        %dma_start3A_305 = arith.constant 0 : i32
        %dma_start3A_306 = tpu.memref_slice %arg6[%dma_start3A_303, %dma_start3A_304, %dma_start3A_305] : memref<5x128x128xf32, #tpu.memory_space<vmem>> -> memref<1x128x128xf32, #tpu.memory_space<vmem>>
        %dma_start3A_307 = tpu.memref_squeeze %dma_start3A_306 : memref<1x128x128xf32, #tpu.memory_space<vmem>> -> memref<128x128xf32, #tpu.memory_space<vmem>>
        %dma_start3A_308 = tpu.memref_slice %arg5[%mul3A_302] : memref<25600xi32, #tpu.memory_space<vmem>> -> memref<128xi32, #tpu.memory_space<vmem>>
        %dma_start3A_309 = arith.constant 0 : i32
        %dma_start3A_310 = arith.constant 0 : i32
        %dma_start3A_311 = tpu.memref_slice %arg2[%dma_start3A_309, %dma_start3A_310] : memref<100000x128xf32, #tpu.memory_space<hbm>> -> memref<100000x128xf32, #tpu.memory_space<hbm>>
        tpu.enqueue_indirect_dma source(%dma_start3A_311 : memref<100000x128xf32, #tpu.memory_space<hbm>>) target(%dma_start3A_307 : memref<128x128xf32, #tpu.memory_space<vmem>>) offsets(%dma_start3A_308 : memref<128xi32, #tpu.memory_space<vmem>>) semaphore(%arg10 : memref<!tpu.dma_semaphore, #tpu.memory_space<semaphore_mem>>)
      } else {
      }
    }
    %scan3A_45 = arith.constant 40 : i32
    %dma_wait3A = arith.constant 0 : i32
    %dma_wait3A_46 = arith.constant 0 : i32
    %dma_wait3A_47 = arith.constant 0 : i32
    %dma_wait3A_48 = tpu.memref_slice %arg6[%dma_wait3A, %dma_wait3A_46, %dma_wait3A_47] : memref<5x128x128xf32, #tpu.memory_space<vmem>> -> memref<1x128x128xf32, #tpu.memory_space<vmem>>
    %dma_wait3A_49 = tpu.memref_squeeze %dma_wait3A_48 : memref<1x128x128xf32, #tpu.memory_space<vmem>> -> memref<128x128xf32, #tpu.memory_space<vmem>>
    %dma_wait3A_50 = arith.constant 0 : i32
    %dma_wait3A_51 = tpu.memref_slice %arg4[%mul3A_2, %dma_wait3A_50] : memref<819200x128xf32, #tpu.memory_space<hbm>> -> memref<128x128xf32, #tpu.memory_space<hbm>>
    %dma_wait3A_52 = arith.constant 0 : i32
    %dma_wait3A_53 = tpu.memref_slice %arg4[%mul3A_2, %dma_wait3A_52] : memref<819200x128xf32, #tpu.memory_space<hbm>> -> memref<128x128xf32, #tpu.memory_space<hbm>>
    %dma_wait3A_54 = arith.constant 0 : i32
    %dma_wait3A_55 = arith.constant 0 : i32
    %dma_wait3A_56 = tpu.memref_slice %arg6[%dma_wait3A, %dma_wait3A_54, %dma_wait3A_55] : memref<5x128x128xf32, #tpu.memory_space<vmem>> -> memref<1x128x128xf32, #tpu.memory_space<vmem>>
    %dma_wait3A_57 = tpu.memref_squeeze %dma_wait3A_56 : memref<1x128x128xf32, #tpu.memory_space<vmem>> -> memref<128x128xf32, #tpu.memory_space<vmem>>
    tpu.wait_dma2 semaphore(%arg12 : memref<!tpu.dma_semaphore, #tpu.memory_space<semaphore_mem>>) src(%dma_wait3A_57 : memref<128x128xf32, #tpu.memory_space<vmem>>) dst(%dma_wait3A_53 : memref<128x128xf32, #tpu.memory_space<hbm>>)
    %dma_wait3A_58 = arith.constant 1 : i32
    %dma_wait3A_59 = arith.constant 0 : i32
    %dma_wait3A_60 = arith.constant 0 : i32
    %dma_wait3A_61 = tpu.memref_slice %arg6[%dma_wait3A_58, %dma_wait3A_59, %dma_wait3A_60] : memref<5x128x128xf32, #tpu.memory_space<vmem>> -> memref<1x128x128xf32, #tpu.memory_space<vmem>>
    %dma_wait3A_62 = tpu.memref_squeeze %dma_wait3A_61 : memref<1x128x128xf32, #tpu.memory_space<vmem>> -> memref<128x128xf32, #tpu.memory_space<vmem>>
    %dma_wait3A_63 = arith.constant 0 : i32
    %dma_wait3A_64 = tpu.memref_slice %arg4[%mul3A_2, %dma_wait3A_63] : memref<819200x128xf32, #tpu.memory_space<hbm>> -> memref<128x128xf32, #tpu.memory_space<hbm>>
    %dma_wait3A_65 = arith.constant 0 : i32
    %dma_wait3A_66 = tpu.memref_slice %arg4[%mul3A_2, %dma_wait3A_65] : memref<819200x128xf32, #tpu.memory_space<hbm>> -> memref<128x128xf32, #tpu.memory_space<hbm>>
    %dma_wait3A_67 = arith.constant 0 : i32
    %dma_wait3A_68 = arith.constant 0 : i32
    %dma_wait3A_69 = tpu.memref_slice %arg6[%dma_wait3A_58, %dma_wait3A_67, %dma_wait3A_68] : memref<5x128x128xf32, #tpu.memory_space<vmem>> -> memref<1x128x128xf32, #tpu.memory_space<vmem>>
    %dma_wait3A_70 = tpu.memref_squeeze %dma_wait3A_69 : memref<1x128x128xf32, #tpu.memory_space<vmem>> -> memref<128x128xf32, #tpu.memory_space<vmem>>
    tpu.wait_dma2 semaphore(%arg13 : memref<!tpu.dma_semaphore, #tpu.memory_space<semaphore_mem>>) src(%dma_wait3A_70 : memref<128x128xf32, #tpu.memory_space<vmem>>) dst(%dma_wait3A_66 : memref<128x128xf32, #tpu.memory_space<hbm>>)
    %dma_wait3A_71 = arith.constant 2 : i32
    %dma_wait3A_72 = arith.constant 0 : i32
    %dma_wait3A_73 = arith.constant 0 : i32
    %dma_wait3A_74 = tpu.memref_slice %arg6[%dma_wait3A_71, %dma_wait3A_72, %dma_wait3A_73] : memref<5x128x128xf32, #tpu.memory_space<vmem>> -> memref<1x128x128xf32, #tpu.memory_space<vmem>>
    %dma_wait3A_75 = tpu.memref_squeeze %dma_wait3A_74 : memref<1x128x128xf32, #tpu.memory_space<vmem>> -> memref<128x128xf32, #tpu.memory_space<vmem>>
    %dma_wait3A_76 = arith.constant 0 : i32
    %dma_wait3A_77 = tpu.memref_slice %arg4[%mul3A_2, %dma_wait3A_76] : memref<819200x128xf32, #tpu.memory_space<hbm>> -> memref<128x128xf32, #tpu.memory_space<hbm>>
    %dma_wait3A_78 = arith.constant 0 : i32
    %dma_wait3A_79 = tpu.memref_slice %arg4[%mul3A_2, %dma_wait3A_78] : memref<819200x128xf32, #tpu.memory_space<hbm>> -> memref<128x128xf32, #tpu.memory_space<hbm>>
    %dma_wait3A_80 = arith.constant 0 : i32
    %dma_wait3A_81 = arith.constant 0 : i32
    %dma_wait3A_82 = tpu.memref_slice %arg6[%dma_wait3A_71, %dma_wait3A_80, %dma_wait3A_81] : memref<5x128x128xf32, #tpu.memory_space<vmem>> -> memref<1x128x128xf32, #tpu.memory_space<vmem>>
    %dma_wait3A_83 = tpu.memref_squeeze %dma_wait3A_82 : memref<1x128x128xf32, #tpu.memory_space<vmem>> -> memref<128x128xf32, #tpu.memory_space<vmem>>
    tpu.wait_dma2 semaphore(%arg14 : memref<!tpu.dma_semaphore, #tpu.memory_space<semaphore_mem>>) src(%dma_wait3A_83 : memref<128x128xf32, #tpu.memory_space<vmem>>) dst(%dma_wait3A_79 : memref<128x128xf32, #tpu.memory_space<hbm>>)
    %dma_wait3A_84 = arith.constant 3 : i32
    %dma_wait3A_85 = arith.constant 0 : i32
    %dma_wait3A_86 = arith.constant 0 : i32
    %dma_wait3A_87 = tpu.memref_slice %arg6[%dma_wait3A_84, %dma_wait3A_85, %dma_wait3A_86] : memref<5x128x128xf32, #tpu.memory_space<vmem>> -> memref<1x128x128xf32, #tpu.memory_space<vmem>>
    %dma_wait3A_88 = tpu.memref_squeeze %dma_wait3A_87 : memref<1x128x128xf32, #tpu.memory_space<vmem>> -> memref<128x128xf32, #tpu.memory_space<vmem>>
    %dma_wait3A_89 = arith.constant 0 : i32
    %dma_wait3A_90 = tpu.memref_slice %arg4[%mul3A_2, %dma_wait3A_89] : memref<819200x128xf32, #tpu.memory_space<hbm>> -> memref<128x128xf32, #tpu.memory_space<hbm>>
    %dma_wait3A_91 = arith.constant 0 : i32
    %dma_wait3A_92 = tpu.memref_slice %arg4[%mul3A_2, %dma_wait3A_91] : memref<819200x128xf32, #tpu.memory_space<hbm>> -> memref<128x128xf32, #tpu.memory_space<hbm>>
    %dma_wait3A_93 = arith.constant 0 : i32
    %dma_wait3A_94 = arith.constant 0 : i32
    %dma_wait3A_95 = tpu.memref_slice %arg6[%dma_wait3A_84, %dma_wait3A_93, %dma_wait3A_94] : memref<5x128x128xf32, #tpu.memory_space<vmem>> -> memref<1x128x128xf32, #tpu.memory_space<vmem>>
    %dma_wait3A_96 = tpu.memref_squeeze %dma_wait3A_95 : memref<1x128x128xf32, #tpu.memory_space<vmem>> -> memref<128x128xf32, #tpu.memory_space<vmem>>
    tpu.wait_dma2 semaphore(%arg15 : memref<!tpu.dma_semaphore, #tpu.memory_space<semaphore_mem>>) src(%dma_wait3A_96 : memref<128x128xf32, #tpu.memory_space<vmem>>) dst(%dma_wait3A_92 : memref<128x128xf32, #tpu.memory_space<hbm>>)
    %dma_wait3A_97 = arith.constant 4 : i32
    %dma_wait3A_98 = arith.constant 0 : i32
    %dma_wait3A_99 = arith.constant 0 : i32
    %dma_wait3A_100 = tpu.memref_slice %arg6[%dma_wait3A_97, %dma_wait3A_98, %dma_wait3A_99] : memref<5x128x128xf32, #tpu.memory_space<vmem>> -> memref<1x128x128xf32, #tpu.memory_space<vmem>>
    %dma_wait3A_101 = tpu.memref_squeeze %dma_wait3A_100 : memref<1x128x128xf32, #tpu.memory_space<vmem>> -> memref<128x128xf32, #tpu.memory_space<vmem>>
    %dma_wait3A_102 = arith.constant 0 : i32
    %dma_wait3A_103 = tpu.memref_slice %arg4[%mul3A_2, %dma_wait3A_102] : memref<819200x128xf32, #tpu.memory_space<hbm>> -> memref<128x128xf32, #tpu.memory_space<hbm>>
    %dma_wait3A_104 = arith.constant 0 : i32
    %dma_wait3A_105 = tpu.memref_slice %arg4[%mul3A_2, %dma_wait3A_104] : memref<819200x128xf32, #tpu.memory_space<hbm>> -> memref<128x128xf32, #tpu.memory_space<hbm>>
    %dma_wait3A_106 = arith.constant 0 : i32
    %dma_wait3A_107 = arith.constant 0 : i32
    %dma_wait3A_108 = tpu.memref_slice %arg6[%dma_wait3A_97, %dma_wait3A_106, %dma_wait3A_107] : memref<5x128x128xf32, #tpu.memory_space<vmem>> -> memref<1x128x128xf32, #tpu.memory_space<vmem>>
    %dma_wait3A_109 = tpu.memref_squeeze %dma_wait3A_108 : memref<1x128x128xf32, #tpu.memory_space<vmem>> -> memref<128x128xf32, #tpu.memory_space<vmem>>
    tpu.wait_dma2 semaphore(%arg16 : memref<!tpu.dma_semaphore, #tpu.memory_space<semaphore_mem>>) src(%dma_wait3A_109 : memref<128x128xf32, #tpu.memory_space<vmem>>) dst(%dma_wait3A_105 : memref<128x128xf32, #tpu.memory_space<hbm>>)
    return
  }
}

</mosaic_0001>

<sc_bundles>
// kernel: _gather_sc.3.cloned.1.call-start
scs
__scs_entry_jumppad:
0x0: {  	(pc) =	sbr.rel $0x88, $3  }
0x1: {  	(tag) =	ssettag $0x0;
	lr =	simm.s32 $0x1  }
0x2: {  	[smem:$0x3F9F] =	sst lr;
	_ =	strace $0xD0000000  }
0x3: {  	_ = 	snop  }
0x4: {  	_ = 	snop  }
0x5: {  	_ = 	snop  }
0x6: {  	_ = 	snop  }
0x7: {  	_ = 	snop  }
__scs_overlays_trampoline_lowered:
0x8: {  	[smem:$0x3FAE] =	sst s0  }
0x9: {  	[smem:$0x3FAF] =	sst s1  }
0xa: {  	[smem:$0x3FB0] =	sst s2  }
0xb: {  	[smem:$0x3FB1] =	sst s3  }
0xc: {  	[smem:$0x3FB2] =	sst s4  }
0xd: {  	[smem:$0x3FB3] =	sst s5  }
0xe: {  	[smem:$0x3FB4] =	sst s6  }
0xf: {  	[smem:$0x3FB5] =	sst s7  }
0x10: {  	[smem:$0x3FB6] =	sst s8  }
0x11: {  	[smem:$0x3FB7] =	sst s9;
	s0 =	simm.s32 @!p0 $0x0  }
0x12: {  	s1 =	sld [smem:$0x3F9D];
	s0 =	simm.s32 @p0 $0x1  }
0x13: {  	[smem:$0x3FB8] =	sst s0;
	s0 =	simm.s32 @!p1 $0x0  }
0x14: {  	s2 =	sld [smem:$0x3F9C];
	s0 =	simm.s32 @p1 $0x1  }
0x15: {  	[smem:$0x3FB9] =	sst s0;
	s0 =	simm.s32 @!p2 $0x0  }
0x16: {  	s3 =	sld [smem:$0x3FDB];
	s0 =	simm.s32 @p2 $0x1  }
0x17: {  	s4 =	simm.s32 $0x1BF5;
	[smem:$0x3FBB] =	sst s0  }
0x18: {  	s0 =	sld [smem:$0x3F9E];
	_ =	swait.ge [sflag:s4], $0x0  }
0x19: {  	s7 =	sld [smem:$0x3F9F]  }
0x1a: {  	s8 =	sadd.s32 $0xFFFFE003, lr  }
0x1b: {  	s9 =	sadd.s32 $0xFFFFFEF7, lr;
	s5 =	simm.s32 $0xFFFFFFFF;
	p2 =	slt.u32 s8, $0xFFFFF086  }
0x1c: {  	p1 =	slt.u32 s9, $0xF7A;
	s5 =	simm.s32 @!p2 $0x0  }
0x1d: {  	s5 =	simm.s32 @p1 $0x1;
	p0 =	seq.s32 s7, s2  }
0x1e: {  	s7 =	smul.u32 @!p0 $0xF7A, s2;
	p2 =	seq.s32 @!p0 s5, $0x0  }
0x1f: {  	s9 =	smul.u32 $0xF7A, s1;
	s8 =	simm.s32 @!p0 $0x1BF5;
	p2 =	por !p2, p0  }
0x20: {  	[sflag:s8] =	ssyncset.s32 @!p0 $0xFFFFF086;
	s6 =	sadd.s32 @!p0 s3, s7;
	s7 =	simm.s32 @!p0 $0x108  }
0x21: {  	s3 =	sadd.s32 s3, s9;
	s6 =	sadd.s32 @!p0 $0x88, s6;
	s7 =	simm.s32 @p2 $0x1082  }
0x22: {  	[simem:s7], [sflag:s8] =	dma.local @!p0 [hbm:s6], $0xF7A  }
0x23: {  	s9 =	sor.u32 $0xD0000000, s2;
	s6 =	simm.s32 $0x108;
	_ =	swait.ge @!p0 [sflag:s8], $0x0  }
0x24: {  	s3 =	sadd.s32 $0x88, s3;
	s6 =	simm.s32 @!p1 $0x1082;
	[sflag:s4] =	ssyncset.s32 $0xFFFFF086  }
0x25: {  	[simem:s6], [sflag:s4] =	dma.local [hbm:s3], $0xF7A  }
0x26: {  	[smem:$0x3F9F] =	sst s1;
	(tag) =	ssettag s2;
	_ =	strace s9  }
0x27: {  	s1 =	sld [smem:$0x3FAF]  }
0x28: {  	s2 =	sld [smem:$0x3FB0]  }
0x29: {  	s4 =	sld [smem:$0x3FB2]  }
0x2a: {  	p0 =	seq.s32 s5, $0x0;
	s5 =	sld [smem:$0x3FB3]  }
0x2b: {  	s6 =	sld [smem:$0x3FB4]  }
0x2c: {  	s7 =	sld [smem:$0x3FB5]  }
0x2d: {  	s3 =	simm.s32 $0x108;
	s8 =	sld [smem:$0x3FB6]  }
0x2e: {  	s3 =	simm.s32 @!p0 $0x1082;
	s9 =	sld [smem:$0x3FB7]  }
0x2f: {  	lr =	sadd.s32 s0, s3;
	s0 =	sld [smem:$0x3FAE]  }
0x30: {  	s3 =	sld [smem:$0x3FB1]  }
0x31: {  	[smem:$0x3FBA] =	sst s10  }
0x32: {  	s10 =	sld [smem:$0x3FB8];
	_ =	sdelay $0x3  }
0x33: {  	p0 =	seq.s32 s10, $0x1;
	s10 =	sld [smem:$0x3FBA];
	_ =	sdelay $0x3  }
0x34: {  	[smem:$0x3FBA] =	sst s10  }
0x35: {  	s10 =	sld [smem:$0x3FB9];
	_ =	sdelay $0x3  }
0x36: {  	p1 =	seq.s32 s10, $0x1;
	s10 =	sld [smem:$0x3FBA];
	_ =	sdelay $0x3  }
0x37: {  	[smem:$0x3FBA] =	sst s10  }
0x38: {  	s10 =	sld [smem:$0x3FBB]  }
0x39: {  	_ = 	snop;
	(pc) =	sbr.ind lr, $3  }
0x3a: {  	_ = 	snop  }
0x3b: {  	_ = 	snop  }
0x3c: {  	p2 =	seq.s32 s10, $0x1;
	s10 =	sld [smem:$0x3FBA]  }
0x3d: {  	_ =	shalt  }
0x3e: {  	_ =	shalt  }
0x3f: {  	_ =	shalt  }
0x40: {  	_ =	shalt  }
0x41: {  	_ =	shalt  }
0x42: {  	_ =	shalt  }
0x43: {  	_ =	shalt  }
0x44: {  	_ =	shalt  }
0x45: {  	_ =	shalt  }
0x46: {  	_ =	shalt  }
0x47: {  	_ =	shalt  }
0x48: {  	_ =	shalt  }
0x49: {  	_ =	shalt  }
0x4a: {  	_ =	shalt  }
0x4b: {  	_ =	shalt  }
0x4c: {  	_ =	shalt  }
0x4d: {  	_ =	shalt  }
0x4e: {  	_ =	shalt  }
0x4f: {  	_ =	shalt  }
0x50: {  	_ =	shalt  }
0x51: {  	_ =	shalt  }
0x52: {  	_ =	shalt  }
0x53: {  	_ =	shalt  }
0x54: {  	_ =	shalt  }
0x55: {  	_ =	shalt  }
0x56: {  	_ =	shalt  }
0x57: {  	_ =	shalt  }
0x58: {  	_ =	shalt  }
0x59: {  	_ =	shalt  }
0x5a: {  	_ =	shalt  }
0x5b: {  	_ =	shalt  }
0x5c: {  	_ =	shalt  }
0x5d: {  	_ =	shalt  }
0x5e: {  	_ =	shalt  }
0x5f: {  	_ =	shalt  }
0x60: {  	_ =	shalt  }
0x61: {  	_ =	shalt  }
0x62: {  	_ =	shalt  }
0x63: {  	_ =	shalt  }
0x64: {  	_ =	shalt  }
0x65: {  	_ =	shalt  }
0x66: {  	_ =	shalt  }
0x67: {  	_ =	shalt  }
0x68: {  	_ =	shalt  }
0x69: {  	_ =	shalt  }
0x6a: {  	_ =	shalt  }
0x6b: {  	_ =	shalt  }
0x6c: {  	_ =	shalt  }
0x6d: {  	_ =	shalt  }
0x6e: {  	_ =	shalt  }
0x6f: {  	_ =	shalt  }
0x70: {  	_ =	shalt  }
0x71: {  	_ =	shalt  }
0x72: {  	_ =	shalt  }
0x73: {  	_ =	shalt  }
0x74: {  	_ =	shalt  }
0x75: {  	_ =	shalt  }
0x76: {  	_ =	shalt  }
0x77: {  	_ =	shalt  }
0x78: {  	_ =	shalt  }
0x79: {  	_ =	shalt  }
0x7a: {  	_ =	shalt  }
0x7b: {  	_ =	shalt  }
0x7c: {  	_ =	shalt  }
0x7d: {  	_ =	shalt  }
0x7e: {  	_ =	shalt  }
0x7f: {  	_ =	shalt  }
0x80: {  	_ =	shalt  }
0x81: {  	_ =	shalt  }
0x82: {  	_ =	shalt  }
0x83: {  	_ =	shalt  }
0x84: {  	_ =	shalt  }
0x85: {  	_ =	shalt  }
0x86: {  	_ =	shalt  }
0x87: {  	_ =	shalt  }
.Lfunc_end0:
.L_simem_size_0:
called_computation_lowered:
.L_overlay_start_0:
0x88: {  	s2 =	sld [smem:$0x3FD9]  }
0x89: {  	s3 =	sld [smem:$0x3FFE];
	_ =	sdelay $0x1  }
0x8a: {  	s1 =	srdreg.scid  }
0x8b: {  	s0 =	sand.u32 $0x1, s1  }
0x8c: {  	s18 =	sshll.u32 s0, $0xA;
	s2 =	sadd.s32 s3, s2  }
0x8d: {  	s2 =	sadd.s32 s2, s18  }
0x8e: {  	[smem:$0x3FC6] =	sst s2  }
0x8f: {  	_ = 	snop  }
0x90: {  	s2 =	sld [smem:$0x3FC9]  }
0x91: {  	s19 =	sld [smem:$0x3FC8]  }
0x92: {  	s4 =	sld [smem:$0x3FD0];
	(tm) =	ssettm $0x1  }
0x93: {  	s5 =	sld [smem:$0x3FFB];
	_ =	sdelay $0x3  }
0x94: {  	_ =	strace s5  }
0x95: {  	s5 =	sld [smem:$0x3FFC];
	_ =	sdelay $0x3  }
0x96: {  	_ =	strace s5  }
0x97: {  	s5 =	sld [smem:$0x3FFD];
	_ =	sdelay $0x3  }
0x98: {  	_ =	strace s5  }
0x99: {  	_ =	strace $0x8FFFFFFF  }
0x9a: {  	s20 =	sld [smem:$0x3FDB];
	_ =	sdelay $0x1  }
0x9b: {  	s6 =	simm.s32 $_scs_section_size  }
0x9c: {  	s7 =	simm.s32 $_size__tile_overlayer_lowered;
	s8 =	simm.s32 $_tile_overlayer_lowered  }
0x9d: {  	s23 =	simm.s32 $0x1BFF;
	s22 =	sshll.u32 s8, $0x1;
	s5 =	sadd.s32 s6, s20  }
0x9e: {  	s9 =	simm.s32 $0x0;
	s21 =	sshll.u32 s7, $0x1;
	s7 =	sadd.s32 s22, s5  }
0x9f: {  	[timem:s9], [sflag:s23] =	dma.local [hbm:s7], s21  }
0xa0: {  	_ =	swait.ge [sflag:s23], s21  }
0xa1: {  	s6 =	ssub.s32 $0x0, s21;
	[sflag:s23] =	ssyncset.done $0x0  }
0xa2: {  	[sflag:s23] =	ssyncadd.s32 s6;
	_ =	sdelay $0x1  }
0xa3: {  	s24 =	simm.s32 $0x1B8B  }
0xa4: {  	_ =	swait.ge [sflag:s24], $0x1  }
0xa5: {  	[sflag:s24] =	ssyncset.done $0x0  }
0xa6: {  	s25 =	simm.s32 $0x1B8E;
	[sflag:s24] =	ssyncadd.s32 $0xFFFFFFFF  }
0xa7: {  	s26 =	simm.s32 $execute0_lowered;
	[smem:$0x3FD2] =	sst s25  }
0xa8: {  	s6 =	sshll.u32 s26, $0x1;
	_ =	strace $0x80000046;
	[dreg:$0x1] =	wrdreg $0xFFFFFFFF  }
0xa9: {  	s28 =	simm.s32 $_size_execute0_lowered;
	s5 =	sadd.s32 s5, s6;
	[dreg:$0x0] =	wrdreg $0x0  }
0xaa: {  	s6 =	sshll.u32 s28, $0x1;
	[dreg:$0x2] =	wrdreg s5  }
0xab: {  	[dreg:$0x3] =	wrdreg s6  }
0xac: {  	[dreg:$0x4] =	wrdreg $0xC0  }
0xad: {  	_ =	task [dreg:s9], $0x5FFFF  }
0xae: {  	[dreg:$0x1] =	wrdreg $0xFFFFFFFF  }
0xaf: {  	[dreg:$0x0] =	wrdreg $0x60  }
0xb0: {  	[dreg:$0x2] =	wrdreg s2  }
0xb1: {  	[dreg:$0x3] =	wrdreg s19  }
0xb2: {  	[dreg:$0x4] =	wrdreg s4  }
0xb3: {  	[dreg:$0x5] =	wrdreg $0x9  }
0xb4: {  	_ =	task.clear_ibuf [dreg:s9], $0x6FFFF;
	_ =	strace $0x90000046  }
0xb5: {  	s29 =	simm.s32 $0x9;
	_ =	strace $0x80000048  }
0xb6: {  	_ =	swait.ge [sflag:s29], $0x1  }
0xb7: {  	[sflag:s29] =	ssyncadd.s32 $0xFFFFFFFF  }
0xb8: {  	_ =	strace $0x90000048  }
0xb9: {  	_ =	sfence  }
0xba: {  	s30 =	sld [smem:$0x0];
	_ =	sdelay $0x2  }
0xbb: {  	s31 =	sshll.u32 s1, $0xD;
	s1 =	sshrl.u32 s1, $0x2  }
0xbc: {  	s3 =	sand.u32 $0x4000, s31;
	s1 =	sadd.s32 s1, s30  }
0xbd: {  	s0 =	sor.u32 s3, s0;
	s1 =	sshll.u32 s1, $0x11  }
0xbe: {  	s0 =	sor.u32 s1, s0  }
0xbf: {  	s0 =	sadd.s32 $0x8F2B, s0  }
0xc0: {  	[sflag:s0] =	ssyncadd.remote.s32 $0x1  }
0xc1: {  	_ =	sfence.sel $0xFFFF  }
0xc2: {  	[dreg:$0x0] =	wrdreg $0xFFFFFFFF;
	(pc) =	sbr.abs _section_cstart, $3  }
0xc3: {  	[dreg:$0x1] =	wrdreg $0xFFFFFFFF  }
0xc4: {  	_ =	task.clear_ibuf [dreg:s9], $0x2FFFF;
	_ =	strace $0x9FFFFFFF  }
0xc5: {  	(tm) =	ssettm $0x7FFFFFFF  }
tec
execute0_lowered:
.L_overlay_start_1:
0x0: {  	(tag) =	ssettag $0x1  }
0x1: {  	s1 =	rddreg [dreg:$0x0]  }
0x2: {  	s0 =	srdreg.scid;
	s2 =	rddreg [dreg:$0x1]  }
0x3: {  	s11 =	stileid.u32;
	s4 =	rddreg [dreg:$0x2]  }
0x4: {  	s12 =	simm.s32 $0xB;
	s13 =	simm.s32 $0x80;
	s14 =	simm.s32 $0x6400  }
0x5: {  	s15 =	simm.s32 $0xA400;
	s28 =	simm.s32 $0x8;
	s7 =	smul.u32 $0x640000, s11  }
0x6: {  	s29 =	simm.s32 $0x9;
	s0 =	sand.u32 $0x1, s0;
	s24 =	smul.u32 $0xC8000, s11  }
0x7: {  	s30 =	simm.s32 $0xA;
	s3 =	sshll.u32 s11, $0x1;
	s9 =	smul.u32 $0x320000, s0  }
0x8: {  	s5 =	sor.u32 s0, s3;
	s8 =	ssub.s32 $0x2, s0;
	s0 =	smul.u32 $0x64000, s0  }
0x9: {  	s31 =	simm.s32 $0x0;
	s3 =	simm.s32 $0x0;
	s6 =	smul.u32 $0x6400, s5  }
0xa: {  	[smem:$0x7FF] =	sst s3;
	s10 =	sshrl.u32 s8, $0x1;
	s5 =	smul.u32 $0x320000, s5  }
0xb: {  	s25 =	sadd.s32 s24, s4;
	s24 =	simm.s32 $0x5;
	_ =	strace $0x80000047  }
0xc: {  	s8 =	ssub.s32 s8, s10;
	s16 =	sadd.s32 s9, s7;
	s0 =	sadd.s32 s0, s25  }
0xd: {  	s25 =	simm.s32 $0x6;
	s6 =	sshrl.u32 s6, $0x3;
	s17 =	smax.u32 s8, $0x1  }
0xe: {  	s5 =	sshrl.u32 s5, $0x3;
	s18 =	sor.u32 $0xC000, s16;
	s20 =	sor.u32 $0x8000, s16  }
0xf: {  	s23 =	sor.u32 $0x4000, s16;
	[dreg:$0x9] =	wrdreg s0;
	s2 =	sadd.s32 s2, s6  }
0x10: {  	[dreg:$0x5] =	wrdreg s17;
	s5 =	sadd.s32 s4, s5;
	s19 =	sshrl.u32 s18, $0x3  }
0x11: {  	s22 =	sshrl.u32 s20, $0x3;
	s20 =	simm.s32 $0x1;
	[dreg:$0x4] =	wrdreg s2  }
0x12: {  	s6 =	sadd.s32 $0x62800, s5;
	s21 =	sadd.s32 s19, s4;
	s5 =	sadd.s32 s22, s4  }
.Ltmp0:
0x13: {  	s2 =	sor.u32 $0x10000, s16;
	s19 =	simm.s32 $0x12400;
	(pc) =	sbr.rel .LBB2_1-.Ltmp0, $4  }
0x14: {  	s22 =	simm.s32 $0x2;
	[dreg:$0x7] =	wrdreg s5;
	s5 =	sshrl.u32 s23, $0x3  }
0x15: {  	[dreg:$0x6] =	wrdreg s21;
	s2 =	sshrl.u32 s2, $0x3;
	s5 =	sadd.s32 s5, s4  }
0x16: {  	s21 =	simm.s32 $0x16400;
	s26 =	sadd.s32 s2, s4;
	[dreg:$0x8] =	wrdreg s5  }
0x17: {  	s23 =	simm.s32 $0x4;
	[dreg:$0xa] =	wrdreg s26;
	s26 =	simm.s32 $0x7  }
.LBB2_4:
0x18: {  	_ =	swait.ge [sflag:s25], $0x4000  }
0x19: {  	[sflag:s25] =	ssyncset.done $0x0  }
0x1a: {  	[sflag:s25] =	ssyncadd.s32 $0xFFFFC000  }
0x1b: {  	_ =	swait.ge [sflag:s26], $0x4000  }
0x1c: {  	[sflag:s26] =	ssyncset.done $0x0  }
0x1d: {  	[sflag:s26] =	ssyncadd.s32 $0xFFFFC000  }
0x1e: {  	_ =	swait.ge [sflag:s28], $0x4000  }
0x1f: {  	[sflag:s28] =	ssyncset.done $0x0  }
0x20: {  	[sflag:s28] =	ssyncadd.s32 $0xFFFFC000  }
0x21: {  	_ =	swait.ge [sflag:s29], $0x4000  }
0x22: {  	[sflag:s29] =	ssyncset.done $0x0  }
0x23: {  	[sflag:s29] =	ssyncadd.s32 $0xFFFFC000  }
0x24: {  	_ =	swait.ge [sflag:s30], $0x4000  }
0x25: {  	s31 =	sadd.s32 $0x1, s31;
	s0 =	rddreg [dreg:$0x5]  }
0x26: {  	p0 =	sne.s32 s31, s0  }
.Ltmp1:
0x27: {  	_ = 	snop;
	(pc) =	sbr.rel @!p0 .LBB2_5-.Ltmp1, $3  }
0x28: {  	_ =	sdelay $0x1  }
0x29: {  	[sflag:s30] =	ssyncset.done $0x0  }
0x2a: {  	[sflag:s30] =	ssyncadd.s32 $0xFFFFC000  }
.LBB2_1:
0x2b: {  	s0 =	rddreg [dreg:$0x4]  }
0x2c: {  	[tilespmem:s3], [sflag:$0xB] =	stream.linear.gather [hbm4b:s0+s3], $0x6400, $0x38;
	[tilespmem:$0x1A400] =	vst v63  }
0x2d: {  	_ =	swait.ge [sflag:s12], $0x6400  }
0x2e: {  	[sflag:s12] =	ssyncset.done $0x0;
	s11 =	rddreg [dreg:$0xa]  }
0x2f: {  	s10 =	rddreg [dreg:$0x9];
	[sflag:s12] =	ssyncadd.s32 $0xFFFF9C00  }
0x30: {  	[tilespmem:s14], [sflag:$0x1] =	stream.indirect.gather [hbm4b:s1+s13], $0x80, s3, s13, $0xb8;
	[tilespmem:$0x1A400] =	vst v63  }
0x31: {  	s9 =	rddreg [dreg:$0x8]  }
0x32: {  	[tilespmem:s15], [sflag:$0x2] =	stream.indirect.gather [hbm4b:s1+s13], $0x80, s13, s13, $0xb8;
	[tilespmem:$0x1A400] =	vst v63  }
0x33: {  	s17 =	simm.s32 $0x100;
	s2 =	simm.s32 $0xE400;
	s8 =	rddreg [dreg:$0x7]  }
0x34: {  	[tilespmem:s2], [sflag:$0x3] =	stream.indirect.gather [hbm4b:s1+s13], $0x80, s17, s13, $0xb8;
	[tilespmem:$0x1A400] =	vst v63  }
0x35: {  	s18 =	simm.s32 $0x180;
	s4 =	simm.s32 $0x0;
	s7 =	rddreg [dreg:$0x6]  }
0x36: {  	[tilespmem:s19], [sflag:$0x4] =	stream.indirect.gather [hbm4b:s1+s13], $0x80, s18, s13, $0xb8;
	[tilespmem:$0x1A400] =	vst v63  }
.LBB2_2:
0x37: {  	_ =	swait.ge [sflag:s20], $0x4000  }
0x38: {  	p0 =	seq.s32 s4, $0x0;
	[sflag:s20] =	ssyncset.done $0x0  }
0x39: {  	s18 =	simm.s32 @!p0 $0xA;
	[sflag:s20] =	ssyncadd.s32 $0xFFFFC000  }
0x3a: {  	[hbm4b:s10+s3] =	stream.linear.scatter [tilespmem:s14], [sflag:$0x6], $0x4000, $0x38;
	[tilespmem:$0x1A400] =	vst v63  }
0x3b: {  	_ =	swait.ge @!p0 [sflag:s18], $0x4000  }
0x3c: {  	s5 =	sshra.s32 s4, $0x2;
	[sflag:s18] =	ssyncset.done @!p0 $0x0  }
0x3d: {  	s17 =	sadd.s32 $0x200, s5;
	[sflag:s18] =	ssyncadd.s32 @!p0 $0xFFFFC000  }
0x3e: {  	[tilespmem:s21], [sflag:$0x5] =	stream.indirect.gather [hbm4b:s1+s13], $0x80, s17, s13, $0xb8;
	[tilespmem:$0x1A400] =	vst v63  }
0x3f: {  	_ =	swait.ge [sflag:s22], $0x4000  }
0x40: {  	p0 =	seq.s32 s4, $0x18600;
	[sflag:s22] =	ssyncset.done $0x0  }
0x41: {  	s18 =	simm.s32 @p0 $0x3;
	[sflag:s22] =	ssyncadd.s32 $0xFFFFC000  }
0x42: {  	[hbm4b:s9+s3] =	stream.linear.scatter [tilespmem:s15], [sflag:$0x7], $0x4000, $0x38;
	[tilespmem:$0x1A400] =	vst v63  }
0x43: {  	_ =	swait.ge @p0 [sflag:s18], $0x4000  }
0x44: {  	[sflag:s18] =	ssyncset.done @p0 $0x0  }
0x45: {  	s17 =	simm.s32 @p0 $0xE400;
	[sflag:s18] =	ssyncadd.s32 @p0 $0xFFFFC000;
	s18 =	simm.s32 @p0 $0x0  }
0x46: {  	[hbm4b:s6+s18] =	stream.linear.scatter @p0 [tilespmem:s17], [sflag:$0x8], $0x4000, $0x38;
	[tilespmem:$0x1A400] =	vst v63  }
0x47: {  	s17 =	simm.s32 @!p0 $0x6  }
0x48: {  	_ =	swait.ge @!p0 [sflag:s17], $0x4000  }
0x49: {  	[sflag:s17] =	ssyncset.done @!p0 $0x0  }
0x4a: {  	[sflag:s17] =	ssyncadd.s32 @!p0 $0xFFFFC000;
	s17 =	sshra.s32 @!p0 s4, $0x2  }
0x4b: {  	s16 =	simm.s32 @!p0 $0x80;
	s0 =	simm.s32 @!p0 $0x6400;
	s18 =	sadd.s32 @!p0 $0x280, s17  }
0x4c: {  	[tilespmem:s0], [sflag:$0x1] =	stream.indirect.gather @!p0 [hbm4b:s1+s16], $0x80, s18, s16, $0xb8;
	[tilespmem:$0x1A400] =	vst v63  }
0x4d: {  	s0 =	simm.s32 @!p0 $0x3  }
0x4e: {  	_ =	swait.ge @!p0 [sflag:s0], $0x4000  }
0x4f: {  	[sflag:s0] =	ssyncset.done @!p0 $0x0  }
0x50: {  	s18 =	simm.s32 @!p0 $0xE400;
	[sflag:s0] =	ssyncadd.s32 @!p0 $0xFFFFC000;
	s0 =	simm.s32 @!p0 $0x0  }
0x51: {  	[hbm4b:s8+s0] =	stream.linear.scatter @!p0 [tilespmem:s18], [sflag:$0x8], $0x4000, $0x38;
	[tilespmem:$0x1A400] =	vst v63  }
0x52: {  	s0 =	simm.s32 @!p0 $0x7  }
0x53: {  	_ =	swait.ge @!p0 [sflag:s0], $0x4000  }
0x54: {  	[sflag:s0] =	ssyncset.done @!p0 $0x0  }
0x55: {  	s2 =	simm.s32 @!p0 $0xA400;
	[sflag:s0] =	ssyncadd.s32 @!p0 $0xFFFFC000;
	s0 =	sadd.s32 @!p0 $0x300, s17  }
0x56: {  	[tilespmem:s2], [sflag:$0x2] =	stream.indirect.gather @!p0 [hbm4b:s1+s16], $0x80, s0, s16, $0xb8;
	[tilespmem:$0x1A400] =	vst v63  }
0x57: {  	_ =	swait.ge [sflag:s23], $0x4000  }
0x58: {  	[sflag:s23] =	ssyncset.done $0x0  }
0x59: {  	s0 =	simm.s32 @!p0 $0x8;
	[sflag:s23] =	ssyncadd.s32 $0xFFFFC000  }
0x5a: {  	[hbm4b:s7+s3] =	stream.linear.scatter [tilespmem:s19], [sflag:$0x9], $0x4000, $0x38;
	[tilespmem:$0x1A400] =	vst v63  }
0x5b: {  	_ =	swait.ge @!p0 [sflag:s0], $0x4000  }
0x5c: {  	[sflag:s0] =	ssyncset.done @!p0 $0x0  }
0x5d: {  	[sflag:s0] =	ssyncadd.s32 @!p0 $0xFFFFC000;
	s0 =	sadd.s32 @!p0 $0x380, s17  }
0x5e: {  	[tilespmem:s18], [sflag:$0x3] =	stream.indirect.gather @!p0 [hbm4b:s1+s16], $0x80, s0, s16, $0xb8;
	[tilespmem:$0x1A400] =	vst v63  }
.Ltmp2:
0x5f: {  	_ = 	snop;
	(pc) =	sbr.rel @p0 .LBB2_4-.Ltmp2, $4  }
0x60: {  	_ =	swait.ge [sflag:s24], $0x4000  }
0x61: {  	[sflag:s24] =	ssyncset.done $0x0  }
0x62: {  	[sflag:s24] =	ssyncadd.s32 $0xFFFFC000  }
0x63: {  	[hbm4b:s11+s3] =	stream.linear.scatter [tilespmem:s21], [sflag:$0xA], $0x4000, $0x38;
	[tilespmem:$0x1A400] =	vst v63  }
.Ltmp3:
0x64: {  	_ =	swait.ge [sflag:s29], $0x4000;
	(pc) =	sbr.rel .LBB2_2-.Ltmp3, $4  }
0x65: {  	s0 =	sadd.s32 $0x400, s5;
	s4 =	sadd.s32 $0xA00, s4;
	s7 =	sadd.s32 $0x2800, s7  }
0x66: {  	s8 =	sadd.s32 $0x2800, s8;
	s9 =	sadd.s32 $0x2800, s9;
	[sflag:s29] =	ssyncset.done $0x0  }
0x67: {  	s10 =	sadd.s32 $0x2800, s10;
	s11 =	sadd.s32 $0x2800, s11;
	[sflag:s29] =	ssyncadd.s32 $0xFFFFC000  }
0x68: {  	[tilespmem:s19], [sflag:$0x4] =	stream.indirect.gather [hbm4b:s1+s13], $0x80, s0, s13, $0xb8;
	[tilespmem:$0x1A400] =	vst v63  }
.LBB2_5:
0x69: {  	_ =	sfence.sel $0x180000  }
0x6a: {  	[bflag:$0x0] =	sbarrier.arrive $0xFFFF  }
0x6b: {  	_ =	strace $0x90000047  }
0x6c: {  	s0 =	stileid.u32;
	[bflag:$0x2] =	sbarrier.arrive $0xFFFF  }
0x6d: {  	p0 =	sne.s32 s0, $0x0;
	s0 =	rddreg [dreg:$0x3]  }
0x6e: {  	s0 =	sadd.s32 @!p0 $0x100000, s0  }
0x6f: {  	[sflag:s0] =	ssyncadd.tile.s32 @!p0 $0x1;
	_ =	shalt  }
.Lfunc_end2:
_tile_overlayer_lowered:
.L_overlay_start_2:
0x70: {  	(tag) =	ssettag $0x2  }
0x71: {  	s0 =	rddreg [dreg:$0x0];
	s2 =	stileid.u32  }
0x72: {  	s1 =	rddreg [dreg:$0x1];
	p0 =	sne.s32 s2, $0x0  }
0x73: {  	s3 =	rddreg [dreg:$0x2];
	[bflag:$0x3] =	sbarrier.arrive $0xFFFF;
	s2 =	simm.s32 @!p0 $0x1C0B  }
0x74: {  	[timem:s3], [sflag:s2] =	dma.local @!p0 [hbm:s0], s1  }
0x75: {  	s0 =	simm.s32 @!p0 $0xB  }
0x76: {  	_ =	swait.ge @!p0 [sflag:s0], s1  }
0x77: {  	s1 =	ssub.s32 @!p0 $0x0, s1;
	[sflag:s0] =	ssyncset.done @!p0 $0x0  }
0x78: {  	[sflag:s0] =	ssyncadd.s32 @!p0 s1  }
0x79: {  	[bflag:$0x3] =	sbarrier.arrive $0xFFFF  }
0x7a: {  	_ =	shalt  }

</sc_bundles>
